<compile_context>
chip_gen: v7x
topology: tpu7x:2x2x1
jax: 0.10.2.dev20260603
libtpu: 0.0.44.dev20260713+nightly
codegen_flags: <defaults>
</compile_context>

<pallas_src>
import functools

import jax
import jax.numpy as jnp
from jax import lax
from jax.experimental import pallas as pl
from jax.experimental.pallas import tpu as pltpu
from jax.experimental.pallas import tpu_sc as plsc

N = 10000
D = 128
E = 320000
CH = 128
ROW_BLK = 1000


@functools.lru_cache(maxsize=None)
def _build():
    mesh = plsc.VectorSubcoreMesh(core_axis_name="c", subcore_axis_name="s")
    NC, NS = mesh.num_cores, mesh.num_subcores
    NW = NC * NS
    NCHUNK = -(-E // (NW * CH))
    NCHUNK += NCHUNK % 2
    EPAD = NW * NCHUNK * CH
    ACC_ROWS = ((N + 16 * NS - 1) // (16 * NS)) * (16 * NS)
    RPT = ACC_ROWS // NS
    NFULL = N // RPT
    NREM = N - NFULL * RPT
    NPAD1 = ACC_ROWS
    ZB = NPAD1 // NS

    @functools.partial(
        pl.kernel,
        out_type=jax.ShapeDtypeStruct((NC * NPAD1,), jnp.float32),
        mesh=mesh,
        scratch_types=[
            pltpu.VMEM((NCHUNK, CH), jnp.int32),
            pltpu.VMEM((CH,), jnp.float32),
            pltpu.VMEM((ZB,), jnp.float32),
            pltpu.VMEM_SHARED((NPAD1,), jnp.float32),
        ],
    )
    def sc_deg(dst_hbm, out_hbm, dst_v, ones_v, zb_v, dacc):
        cid = lax.axis_index("c")
        sid = lax.axis_index("s")
        tid = cid * NS + sid
        pltpu.sync_copy(dst_hbm.at[tid], dst_v)

        @pl.loop(0, CH, step=16)
        def _(i):
            ones_v[pl.ds(pl.multiple_of(i, 16), 16)] = jnp.full(
                (16,), 1.0, jnp.float32)

        @pl.loop(0, ZB, step=16)
        def _(i):
            zb_v[pl.ds(pl.multiple_of(i, 16), 16)] = jnp.zeros(
                (16,), jnp.float32)

        pltpu.sync_copy(zb_v, dacc.at[pl.ds(sid * ZB, ZB)])
        plsc.subcore_barrier()

        @pl.loop(0, NCHUNK)
        def _(k):
            pltpu.sync_copy(ones_v, dacc.at[dst_v.at[k]], add=True)

        plsc.subcore_barrier()
        pltpu.sync_copy(dacc.at[pl.ds(sid * ZB, ZB)],
                        out_hbm.at[pl.ds(cid * NPAD1 + sid * ZB, ZB)])

    TOTCH = NW * NCHUNK
    CPA = 104
    CPB = TOTCH // NS - CPA
    assert CPA % 8 == 0 and CPB % 8 == 0 and NS * (CPA + CPB) == TOTCH
    CPMAX = max(CPA, CPB)

    @functools.partial(
        pl.kernel,
        out_type=jax.ShapeDtypeStruct((NC, ACC_ROWS, D), jnp.float32),
        mesh=mesh,
        scratch_types=[
            pltpu.VMEM((CPMAX, CH), jnp.int32),
            pltpu.VMEM((CPMAX, CH), jnp.int32),
            pltpu.VMEM((CH, D), jnp.float32),
            pltpu.VMEM_SHARED((ACC_ROWS, D), jnp.float32),
        ],
    )
    def sc_agg(y_hbm, zeros_hbm, src_hbm, dst_hbm, out_hbm,
               src_v, dst_v, rows_a, acc):
        cid = lax.axis_index("c")
        sid = lax.axis_index("s")
        r0 = sid * RPT

        def init_from(src_hbm_ref):
            @pl.when(sid < NFULL)
            def _():
                pltpu.sync_copy(src_hbm_ref.at[pl.ds(r0, RPT)],
                                acc.at[pl.ds(r0, RPT)])

            if NREM:
                @pl.when(sid == NFULL)
                def _():
                    pltpu.sync_copy(src_hbm_ref.at[pl.ds(r0, NREM)],
                                    acc.at[pl.ds(r0, NREM)])

        @pl.when(cid == 0)
        def _():
            init_from(y_hbm)

        @pl.when(cid != 0)
        def _():
            init_from(zeros_hbm)

        @pl.when(cid == 0)
        def _():
            off = sid * CPA
            pltpu.sync_copy(src_hbm.at[pl.ds(off, CPA)],
                            src_v.at[pl.ds(0, CPA)])
            pltpu.sync_copy(dst_hbm.at[pl.ds(off, CPA)],
                            dst_v.at[pl.ds(0, CPA)])

        @pl.when(cid != 0)
        def _():
            off = NS * CPA + sid * CPB
            pltpu.sync_copy(src_hbm.at[pl.ds(off, CPB)],
                            src_v.at[pl.ds(0, CPB)])
            pltpu.sync_copy(dst_hbm.at[pl.ds(off, CPB)],
                            dst_v.at[pl.ds(0, CPB)])

        plsc.subcore_barrier()
        nch = jnp.where(cid == 0, CPA, CPB)

        @pl.loop(0, nch)
        def _(k):
            pltpu.sync_copy(y_hbm.at[src_v.at[k]], rows_a)
            pltpu.sync_copy(rows_a, acc.at[dst_v.at[k]], add=True)

        plsc.subcore_barrier()
        pltpu.sync_copy(acc.at[pl.ds(r0, RPT)],
                        out_hbm.at[cid, pl.ds(r0, RPT)])

    dot = functools.partial(
        lax.dot_general,
        dimension_numbers=(((1,), (0,)), ((), ())),
        precision=lax.Precision.HIGHEST,
        preferred_element_type=jnp.float32,
    )

    def m1_body(x_ref, w_ref, dinv_ref, o_ref):
        o_ref[...] = dot(x_ref[...], w_ref[...]) * dinv_ref[...]

    tc_m1 = pl.pallas_call(
        m1_body,
        grid=(N // ROW_BLK,),
        in_specs=[
            pl.BlockSpec((ROW_BLK, D), lambda i: (i, 0)),
            pl.BlockSpec((D, D), lambda i: (0, 0)),
            pl.BlockSpec((ROW_BLK, 1), lambda i: (i, 0)),
        ],
        out_specs=pl.BlockSpec((ROW_BLK, D), lambda i: (i, 0)),
        out_shape=jax.ShapeDtypeStruct((N, D), jnp.float32),
    )

    def m2_body(s_ref, dinv_ref, b_ref, w_ref, o_ref):
        h = (s_ref[0] + s_ref[1]) * dinv_ref[...] + b_ref[...]
        h = jnp.maximum(h, 0.0)
        o_ref[...] = dot(h, w_ref[...]) * dinv_ref[...]

    tc_m2 = pl.pallas_call(
        m2_body,
        grid=(N // ROW_BLK,),
        in_specs=[
            pl.BlockSpec((NC, ROW_BLK, D), lambda i: (0, i, 0)),
            pl.BlockSpec((ROW_BLK, 1), lambda i: (i, 0)),
            pl.BlockSpec((1, D), lambda i: (0, 0)),
            pl.BlockSpec((D, D), lambda i: (0, 0)),
        ],
        out_specs=pl.BlockSpec((ROW_BLK, D), lambda i: (i, 0)),
        out_shape=jax.ShapeDtypeStruct((N, D), jnp.float32),
    )

    def ep_body(s_ref, dinv_ref, b_ref, o_ref):
        o_ref[...] = (s_ref[0] + s_ref[1]) * dinv_ref[...] + b_ref[...]

    tc_ep = pl.pallas_call(
        ep_body,
        grid=(N // ROW_BLK,),
        in_specs=[
            pl.BlockSpec((NC, ROW_BLK, D), lambda i: (0, i, 0)),
            pl.BlockSpec((ROW_BLK, 1), lambda i: (i, 0)),
            pl.BlockSpec((1, D), lambda i: (0, 0)),
        ],
        out_specs=pl.BlockSpec((ROW_BLK, D), lambda i: (i, 0)),
        out_shape=jax.ShapeDtypeStruct((N, D), jnp.float32),
    )

    def run(x, edge_index, W1, b1, W2, b2):
        src = edge_index[0]
        dst = edge_index[1]
        pad = EPAD - E
        srcp = jnp.concatenate([src, jnp.zeros((pad,), jnp.int32)])
        spare = ACC_ROWS - N
        pad_dst = N + jnp.arange(pad, dtype=jnp.int32) % spare
        dstp = jnp.concatenate([dst, pad_dst])
        src3 = srcp.reshape(NW, NCHUNK, CH)
        dst3 = dstp.reshape(NW, NCHUNK, CH)
        src2 = srcp.reshape(NW * NCHUNK, CH)
        dst2 = dstp.reshape(NW * NCHUNK, CH)

        degp = sc_deg(dst3).reshape(NC, NPAD1)
        dinv = lax.rsqrt(degp[0, :N] + degp[1, :N] + 1.0)
        dinv2 = dinv[:, None]

        zeros2 = jnp.zeros((N, D), jnp.float32)
        b1r = b1.reshape(1, D)
        b2r = b2.reshape(1, D)

        y1 = tc_m1(x, W1, dinv2)
        s1 = sc_agg(y1, zeros2, src2, dst2)
        y2 = tc_m2(s1, dinv2, b1r, W2)
        s2 = sc_agg(y2, zeros2, src2, dst2)
        return tc_ep(s2, dinv2, b2r)

    return run


@jax.jit
def kernel(x, edge_index, W1, b1, W2, b2):
    return _build()(x, edge_index, W1, b1, W2, b2)

# --- scband reference (transcript-rebuilt; emitter-appended) ---
"""Pipeline reference for scband-gcn-72232759984504 (READ-ONLY COPY).

The authoritative reference and input builder live on the scoring server;
editing this copy changes nothing except your own understanding.
"""

import jax, jax.numpy as jnp
import numpy as np

N = 10000
E = 320000
D_IN = 128
D_H = 128
D_OUT = 128


def setup_inputs(seed: int = 0) -> dict:
    key = jax.random.key(seed)
    ks = jax.random.split(key, 6)
    x = jax.random.normal(ks[0], (N, D_IN), dtype=jnp.float32)
    edge_index = jax.random.randint(ks[1], (2, E), 0, N, dtype=jnp.int32)
    W1 = jax.random.normal(ks[2], (D_IN, D_H), dtype=jnp.float32) * (1.0 / np.sqrt(D_IN))
    b1 = jnp.zeros((D_H,), dtype=jnp.float32)
    W2 = jax.random.normal(ks[3], (D_H, D_OUT), dtype=jnp.float32) * (1.0 / np.sqrt(D_H))
    b2 = jnp.zeros((D_OUT,), dtype=jnp.float32)
    return {"x": x, "edge_index": edge_index, "W1": W1, "b1": b1, "W2": W2, "b2": b2}


def gcn_conv(x, edge_index, W, b):
    # PyG GCNConv: add self-loops, symmetric D^-1/2 (A+I) D^-1/2 normalization
    n = x.shape[0]
    loop = jnp.arange(n, dtype=edge_index.dtype)
    src = jnp.concatenate([edge_index[0], loop])
    dst = jnp.concatenate([edge_index[1], loop])
    deg = jnp.zeros((n,), dtype=x.dtype).at[dst].add(1.0)
    deg_inv_sqrt = jnp.where(deg > 0, 1.0 / jnp.sqrt(deg), 0.0)
    norm = deg_inv_sqrt[src] * deg_inv_sqrt[dst]
    xw = x @ W
    msg = xw[src] * norm[:, None]
    out = jnp.zeros((n, W.shape[1]), dtype=x.dtype).at[dst].add(msg)
    return out + b


def reference(x, edge_index, W1, b1, W2, b2):
    h = gcn_conv(x, edge_index, W1, b1)
    h = jax.nn.relu(h)
    out = gcn_conv(h, edge_index, W2, b2)
    return out

if __name__ == "__main__":
    import jax
    _d = setup_inputs()
    print(jax.jit(kernel)(*tuple(_d.values())))

</pallas_src>

<mosaic_0001>
#map = affine_map<(d0, d1) -> (0, 0)>
#map1 = affine_map<(d0, d1) -> (0, 0, 0)>
module attributes {stable_mosaic.version = 14 : i64} {
  func.func @sc_agg(%arg0: i32, %arg1: i32, %arg2: memref<10000x128xf32, #tpu.memory_space<hbm>>, %arg3: memref<10000x128xf32, #tpu.memory_space<hbm>>, %arg4: memref<2560x128xi32, #tpu.memory_space<hbm>>, %arg5: memref<2560x128xi32, #tpu.memory_space<hbm>>, %arg6: memref<2x10240x128xf32, #tpu.memory_space<hbm>>, %arg7: memref<104x128xi32, #tpu.memory_space<vmem>>, %arg8: memref<104x128xi32, #tpu.memory_space<vmem>>, %arg9: memref<128x128xf32, #tpu.memory_space<vmem>>, %arg10: memref<10240x128xf32, #tpu.memory_space<vmem_shared>>) attributes {dimension_semantics = [#tpu.dimension_semantics<core_parallel>, #tpu.dimension_semantics<subcore_parallel>], iteration_bounds = array<i64: 2, 16>, scalar_prefetch = 0 : i64, scratch_operands = 4 : i64, tpu.core_type = #tpu.core_type<sc_vector_subcore>, window_params = [{transform_indices = #map}, {transform_indices = #map}, {transform_indices = #map}, {transform_indices = #map}, {transform_indices = #map1}]} {
    %mul3A = arith.constant 640 : i32
    %mul3A_0 = arith.muli %arg1, %mul3A : i32
    %eq3A = arith.constant 0 : i32
    %eq3A_1 = arith.cmpi eq, %arg0, %eq3A : i32
    %convert_element_type3A = arith.extui %eq3A_1 : i1 to i32
    %cond3A = arith.constant 0 : i32
    %cond3A_2 = arith.cmpi ne, %convert_element_type3A, %cond3A : i32
    scf.if %cond3A_2 {
      %lt3A = arith.constant 15 : i32
      %lt3A_36 = arith.cmpi slt, %arg1, %lt3A : i32
      %convert_element_type3A_37 = arith.extui %lt3A_36 : i1 to i32
      %cond3A_38 = arith.constant 0 : i32
      %cond3A_39 = arith.cmpi ne, %convert_element_type3A_37, %cond3A_38 : i32
      scf.if %cond3A_39 {
        "tpu.region"() ({
          %run_scoped3A = tpu.sem_alloc : memref<!tpu.dma_semaphore, #tpu.memory_space<semaphore_mem>>
          %dma_start3A = arith.constant 0 : i32
          %dma_start3A_45 = tpu.memref_slice %arg10[%mul3A_0, %dma_start3A] : memref<10240x128xf32, #tpu.memory_space<vmem_shared>> -> memref<640x128xf32, #tpu.memory_space<vmem_shared>>
          %dma_start3A_46 = arith.constant 0 : i32
          %dma_start3A_47 = tpu.memref_slice %arg2[%mul3A_0, %dma_start3A_46] : memref<10000x128xf32, #tpu.memory_space<hbm>> -> memref<640x128xf32, #tpu.memory_space<hbm>>
          tpu.enqueue_dma source(%dma_start3A_47 : memref<640x128xf32, #tpu.memory_space<hbm>>) target(%dma_start3A_45 : memref<640x128xf32, #tpu.memory_space<vmem_shared>>) target_semaphore(%run_scoped3A : memref<!tpu.dma_semaphore, #tpu.memory_space<semaphore_mem>>)
          %dma_wait3A = arith.constant 0 : i32
          %dma_wait3A_48 = tpu.memref_slice %arg10[%mul3A_0, %dma_wait3A] : memref<10240x128xf32, #tpu.memory_space<vmem_shared>> -> memref<640x128xf32, #tpu.memory_space<vmem_shared>>
          %dma_wait3A_49 = arith.constant 0 : i32
          %dma_wait3A_50 = tpu.memref_slice %arg2[%mul3A_0, %dma_wait3A_49] : memref<10000x128xf32, #tpu.memory_space<hbm>> -> memref<640x128xf32, #tpu.memory_space<hbm>>
          tpu.wait_dma2 semaphore(%run_scoped3A : memref<!tpu.dma_semaphore, #tpu.memory_space<semaphore_mem>>) src(%dma_wait3A_50 : memref<640x128xf32, #tpu.memory_space<hbm>>) dst(%dma_wait3A_48 : memref<640x128xf32, #tpu.memory_space<vmem_shared>>)
          tpu.yield
        }) : () -> ()
      } else {
      }
      %eq3A_40 = arith.constant 15 : i32
      %eq3A_41 = arith.cmpi eq, %arg1, %eq3A_40 : i32
      %convert_element_type3A_42 = arith.extui %eq3A_41 : i1 to i32
      %cond3A_43 = arith.constant 0 : i32
      %cond3A_44 = arith.cmpi ne, %convert_element_type3A_42, %cond3A_43 : i32
      scf.if %cond3A_44 {
        "tpu.region"() ({
          %run_scoped3A = tpu.sem_alloc : memref<!tpu.dma_semaphore, #tpu.memory_space<semaphore_mem>>
          %dma_start3A = arith.constant 0 : i32
          %dma_start3A_45 = tpu.memref_slice %arg10[%mul3A_0, %dma_start3A] : memref<10240x128xf32, #tpu.memory_space<vmem_shared>> -> memref<400x128xf32, #tpu.memory_space<vmem_shared>>
          %dma_start3A_46 = arith.constant 0 : i32
          %dma_start3A_47 = tpu.memref_slice %arg2[%mul3A_0, %dma_start3A_46] : memref<10000x128xf32, #tpu.memory_space<hbm>> -> memref<400x128xf32, #tpu.memory_space<hbm>>
          tpu.enqueue_dma source(%dma_start3A_47 : memref<400x128xf32, #tpu.memory_space<hbm>>) target(%dma_start3A_45 : memref<400x128xf32, #tpu.memory_space<vmem_shared>>) target_semaphore(%run_scoped3A : memref<!tpu.dma_semaphore, #tpu.memory_space<semaphore_mem>>)
          %dma_wait3A = arith.constant 0 : i32
          %dma_wait3A_48 = tpu.memref_slice %arg10[%mul3A_0, %dma_wait3A] : memref<10240x128xf32, #tpu.memory_space<vmem_shared>> -> memref<400x128xf32, #tpu.memory_space<vmem_shared>>
          %dma_wait3A_49 = arith.constant 0 : i32
          %dma_wait3A_50 = tpu.memref_slice %arg2[%mul3A_0, %dma_wait3A_49] : memref<10000x128xf32, #tpu.memory_space<hbm>> -> memref<400x128xf32, #tpu.memory_space<hbm>>
          tpu.wait_dma2 semaphore(%run_scoped3A : memref<!tpu.dma_semaphore, #tpu.memory_space<semaphore_mem>>) src(%dma_wait3A_50 : memref<400x128xf32, #tpu.memory_space<hbm>>) dst(%dma_wait3A_48 : memref<400x128xf32, #tpu.memory_space<vmem_shared>>)
          tpu.yield
        }) : () -> ()
      } else {
      }
    } else {
    }
    %ne3A = arith.constant 0 : i32
    %ne3A_3 = arith.cmpi ne, %arg0, %ne3A : i32
    %convert_element_type3A_4 = arith.extui %ne3A_3 : i1 to i32
    %cond3A_5 = arith.constant 0 : i32
    %cond3A_6 = arith.cmpi ne, %convert_element_type3A_4, %cond3A_5 : i32
    scf.if %cond3A_6 {
      %lt3A = arith.constant 15 : i32
      %lt3A_36 = arith.cmpi slt, %arg1, %lt3A : i32
      %convert_element_type3A_37 = arith.extui %lt3A_36 : i1 to i32
      %cond3A_38 = arith.constant 0 : i32
      %cond3A_39 = arith.cmpi ne, %convert_element_type3A_37, %cond3A_38 : i32
      scf.if %cond3A_39 {
        "tpu.region"() ({
          %run_scoped3A = tpu.sem_alloc : memref<!tpu.dma_semaphore, #tpu.memory_space<semaphore_mem>>
          %dma_start3A = arith.constant 0 : i32
          %dma_start3A_45 = tpu.memref_slice %arg10[%mul3A_0, %dma_start3A] : memref<10240x128xf32, #tpu.memory_space<vmem_shared>> -> memref<640x128xf32, #tpu.memory_space<vmem_shared>>
          %dma_start3A_46 = arith.constant 0 : i32
          %dma_start3A_47 = tpu.memref_slice %arg3[%mul3A_0, %dma_start3A_46] : memref<10000x128xf32, #tpu.memory_space<hbm>> -> memref<640x128xf32, #tpu.memory_space<hbm>>
          tpu.enqueue_dma source(%dma_start3A_47 : memref<640x128xf32, #tpu.memory_space<hbm>>) target(%dma_start3A_45 : memref<640x128xf32, #tpu.memory_space<vmem_shared>>) target_semaphore(%run_scoped3A : memref<!tpu.dma_semaphore, #tpu.memory_space<semaphore_mem>>)
          %dma_wait3A = arith.constant 0 : i32
          %dma_wait3A_48 = tpu.memref_slice %arg10[%mul3A_0, %dma_wait3A] : memref<10240x128xf32, #tpu.memory_space<vmem_shared>> -> memref<640x128xf32, #tpu.memory_space<vmem_shared>>
          %dma_wait3A_49 = arith.constant 0 : i32
          %dma_wait3A_50 = tpu.memref_slice %arg3[%mul3A_0, %dma_wait3A_49] : memref<10000x128xf32, #tpu.memory_space<hbm>> -> memref<640x128xf32, #tpu.memory_space<hbm>>
          tpu.wait_dma2 semaphore(%run_scoped3A : memref<!tpu.dma_semaphore, #tpu.memory_space<semaphore_mem>>) src(%dma_wait3A_50 : memref<640x128xf32, #tpu.memory_space<hbm>>) dst(%dma_wait3A_48 : memref<640x128xf32, #tpu.memory_space<vmem_shared>>)
          tpu.yield
        }) : () -> ()
      } else {
      }
      %eq3A_40 = arith.constant 15 : i32
      %eq3A_41 = arith.cmpi eq, %arg1, %eq3A_40 : i32
      %convert_element_type3A_42 = arith.extui %eq3A_41 : i1 to i32
      %cond3A_43 = arith.constant 0 : i32
      %cond3A_44 = arith.cmpi ne, %convert_element_type3A_42, %cond3A_43 : i32
      scf.if %cond3A_44 {
        "tpu.region"() ({
          %run_scoped3A = tpu.sem_alloc : memref<!tpu.dma_semaphore, #tpu.memory_space<semaphore_mem>>
          %dma_start3A = arith.constant 0 : i32
          %dma_start3A_45 = tpu.memref_slice %arg10[%mul3A_0, %dma_start3A] : memref<10240x128xf32, #tpu.memory_space<vmem_shared>> -> memref<400x128xf32, #tpu.memory_space<vmem_shared>>
          %dma_start3A_46 = arith.constant 0 : i32
          %dma_start3A_47 = tpu.memref_slice %arg3[%mul3A_0, %dma_start3A_46] : memref<10000x128xf32, #tpu.memory_space<hbm>> -> memref<400x128xf32, #tpu.memory_space<hbm>>
          tpu.enqueue_dma source(%dma_start3A_47 : memref<400x128xf32, #tpu.memory_space<hbm>>) target(%dma_start3A_45 : memref<400x128xf32, #tpu.memory_space<vmem_shared>>) target_semaphore(%run_scoped3A : memref<!tpu.dma_semaphore, #tpu.memory_space<semaphore_mem>>)
          %dma_wait3A = arith.constant 0 : i32
          %dma_wait3A_48 = tpu.memref_slice %arg10[%mul3A_0, %dma_wait3A] : memref<10240x128xf32, #tpu.memory_space<vmem_shared>> -> memref<400x128xf32, #tpu.memory_space<vmem_shared>>
          %dma_wait3A_49 = arith.constant 0 : i32
          %dma_wait3A_50 = tpu.memref_slice %arg3[%mul3A_0, %dma_wait3A_49] : memref<10000x128xf32, #tpu.memory_space<hbm>> -> memref<400x128xf32, #tpu.memory_space<hbm>>
          tpu.wait_dma2 semaphore(%run_scoped3A : memref<!tpu.dma_semaphore, #tpu.memory_space<semaphore_mem>>) src(%dma_wait3A_50 : memref<400x128xf32, #tpu.memory_space<hbm>>) dst(%dma_wait3A_48 : memref<400x128xf32, #tpu.memory_space<vmem_shared>>)
          tpu.yield
        }) : () -> ()
      } else {
      }
    } else {
    }
    %eq3A_7 = arith.constant 0 : i32
    %eq3A_8 = arith.cmpi eq, %arg0, %eq3A_7 : i32
    %convert_element_type3A_9 = arith.extui %eq3A_8 : i1 to i32
    %cond3A_10 = arith.constant 0 : i32
    %cond3A_11 = arith.cmpi ne, %convert_element_type3A_9, %cond3A_10 : i32
    scf.if %cond3A_11 {
      %mul3A_36 = arith.constant 104 : i32
      %mul3A_37 = arith.muli %arg1, %mul3A_36 : i32
      "tpu.region"() ({
        %run_scoped3A = tpu.sem_alloc : memref<!tpu.dma_semaphore, #tpu.memory_space<semaphore_mem>>
        %dma_start3A = arith.constant 0 : i32
        %dma_start3A_38 = arith.constant 0 : i32
        %dma_start3A_39 = tpu.memref_slice %arg7[%dma_start3A, %dma_start3A_38] : memref<104x128xi32, #tpu.memory_space<vmem>> -> memref<104x128xi32, #tpu.memory_space<vmem>>
        %dma_start3A_40 = arith.constant 0 : i32
        %dma_start3A_41 = tpu.memref_slice %arg4[%mul3A_37, %dma_start3A_40] : memref<2560x128xi32, #tpu.memory_space<hbm>> -> memref<104x128xi32, #tpu.memory_space<hbm>>
        %dma_start3A_42 = arith.constant 0 : i32
        %dma_start3A_43 = arith.constant 0 : i32
        %dma_start3A_44 = tpu.memref_slice %arg7[%dma_start3A_42, %dma_start3A_43] : memref<104x128xi32, #tpu.memory_space<vmem>> -> memref<104x128xi32, #tpu.memory_space<vmem>>
        %dma_start3A_45 = arith.constant 0 : i32
        %dma_start3A_46 = tpu.memref_slice %arg4[%mul3A_37, %dma_start3A_45] : memref<2560x128xi32, #tpu.memory_space<hbm>> -> memref<104x128xi32, #tpu.memory_space<hbm>>
        tpu.enqueue_dma source(%dma_start3A_46 : memref<104x128xi32, #tpu.memory_space<hbm>>) target(%dma_start3A_44 : memref<104x128xi32, #tpu.memory_space<vmem>>) target_semaphore(%run_scoped3A : memref<!tpu.dma_semaphore, #tpu.memory_space<semaphore_mem>>)
        %dma_wait3A = arith.constant 0 : i32
        %dma_wait3A_47 = arith.constant 0 : i32
        %dma_wait3A_48 = tpu.memref_slice %arg7[%dma_wait3A, %dma_wait3A_47] : memref<104x128xi32, #tpu.memory_space<vmem>> -> memref<104x128xi32, #tpu.memory_space<vmem>>
        %dma_wait3A_49 = arith.constant 0 : i32
        %dma_wait3A_50 = tpu.memref_slice %arg4[%mul3A_37, %dma_wait3A_49] : memref<2560x128xi32, #tpu.memory_space<hbm>> -> memref<104x128xi32, #tpu.memory_space<hbm>>
        %dma_wait3A_51 = arith.constant 0 : i32
        %dma_wait3A_52 = arith.constant 0 : i32
        %dma_wait3A_53 = tpu.memref_slice %arg7[%dma_wait3A_51, %dma_wait3A_52] : memref<104x128xi32, #tpu.memory_space<vmem>> -> memref<104x128xi32, #tpu.memory_space<vmem>>
        %dma_wait3A_54 = arith.constant 0 : i32
        %dma_wait3A_55 = tpu.memref_slice %arg4[%mul3A_37, %dma_wait3A_54] : memref<2560x128xi32, #tpu.memory_space<hbm>> -> memref<104x128xi32, #tpu.memory_space<hbm>>
        tpu.wait_dma2 semaphore(%run_scoped3A : memref<!tpu.dma_semaphore, #tpu.memory_space<semaphore_mem>>) src(%dma_wait3A_55 : memref<104x128xi32, #tpu.memory_space<hbm>>) dst(%dma_wait3A_53 : memref<104x128xi32, #tpu.memory_space<vmem>>)
        tpu.yield
      }) : () -> ()
      "tpu.region"() ({
        %run_scoped3A = tpu.sem_alloc : memref<!tpu.dma_semaphore, #tpu.memory_space<semaphore_mem>>
        %dma_start3A = arith.constant 0 : i32
        %dma_start3A_38 = arith.constant 0 : i32
        %dma_start3A_39 = tpu.memref_slice %arg8[%dma_start3A, %dma_start3A_38] : memref<104x128xi32, #tpu.memory_space<vmem>> -> memref<104x128xi32, #tpu.memory_space<vmem>>
        %dma_start3A_40 = arith.constant 0 : i32
        %dma_start3A_41 = tpu.memref_slice %arg5[%mul3A_37, %dma_start3A_40] : memref<2560x128xi32, #tpu.memory_space<hbm>> -> memref<104x128xi32, #tpu.memory_space<hbm>>
        %dma_start3A_42 = arith.constant 0 : i32
        %dma_start3A_43 = arith.constant 0 : i32
        %dma_start3A_44 = tpu.memref_slice %arg8[%dma_start3A_42, %dma_start3A_43] : memref<104x128xi32, #tpu.memory_space<vmem>> -> memref<104x128xi32, #tpu.memory_space<vmem>>
        %dma_start3A_45 = arith.constant 0 : i32
        %dma_start3A_46 = tpu.memref_slice %arg5[%mul3A_37, %dma_start3A_45] : memref<2560x128xi32, #tpu.memory_space<hbm>> -> memref<104x128xi32, #tpu.memory_space<hbm>>
        tpu.enqueue_dma source(%dma_start3A_46 : memref<104x128xi32, #tpu.memory_space<hbm>>) target(%dma_start3A_44 : memref<104x128xi32, #tpu.memory_space<vmem>>) target_semaphore(%run_scoped3A : memref<!tpu.dma_semaphore, #tpu.memory_space<semaphore_mem>>)
        %dma_wait3A = arith.constant 0 : i32
        %dma_wait3A_47 = arith.constant 0 : i32
        %dma_wait3A_48 = tpu.memref_slice %arg8[%dma_wait3A, %dma_wait3A_47] : memref<104x128xi32, #tpu.memory_space<vmem>> -> memref<104x128xi32, #tpu.memory_space<vmem>>
        %dma_wait3A_49 = arith.constant 0 : i32
        %dma_wait3A_50 = tpu.memref_slice %arg5[%mul3A_37, %dma_wait3A_49] : memref<2560x128xi32, #tpu.memory_space<hbm>> -> memref<104x128xi32, #tpu.memory_space<hbm>>
        %dma_wait3A_51 = arith.constant 0 : i32
        %dma_wait3A_52 = arith.constant 0 : i32
        %dma_wait3A_53 = tpu.memref_slice %arg8[%dma_wait3A_51, %dma_wait3A_52] : memref<104x128xi32, #tpu.memory_space<vmem>> -> memref<104x128xi32, #tpu.memory_space<vmem>>
        %dma_wait3A_54 = arith.constant 0 : i32
        %dma_wait3A_55 = tpu.memref_slice %arg5[%mul3A_37, %dma_wait3A_54] : memref<2560x128xi32, #tpu.memory_space<hbm>> -> memref<104x128xi32, #tpu.memory_space<hbm>>
        tpu.wait_dma2 semaphore(%run_scoped3A : memref<!tpu.dma_semaphore, #tpu.memory_space<semaphore_mem>>) src(%dma_wait3A_55 : memref<104x128xi32, #tpu.memory_space<hbm>>) dst(%dma_wait3A_53 : memref<104x128xi32, #tpu.memory_space<vmem>>)
        tpu.yield
      }) : () -> ()
    } else {
    }
    %ne3A_12 = arith.constant 0 : i32
    %ne3A_13 = arith.cmpi ne, %arg0, %ne3A_12 : i32
    %convert_element_type3A_14 = arith.extui %ne3A_13 : i1 to i32
    %cond3A_15 = arith.constant 0 : i32
    %cond3A_16 = arith.cmpi ne, %convert_element_type3A_14, %cond3A_15 : i32
    scf.if %cond3A_16 {
      %mul3A_36 = arith.constant 56 : i32
      %mul3A_37 = arith.muli %arg1, %mul3A_36 : i32
      %add3A_38 = arith.constant 1664 : i32
      %add3A_39 = arith.addi %add3A_38, %mul3A_37 : i32
      "tpu.region"() ({
        %run_scoped3A = tpu.sem_alloc : memref<!tpu.dma_semaphore, #tpu.memory_space<semaphore_mem>>
        %dma_start3A = arith.constant 0 : i32
        %dma_start3A_40 = arith.constant 0 : i32
        %dma_start3A_41 = tpu.memref_slice %arg7[%dma_start3A, %dma_start3A_40] : memref<104x128xi32, #tpu.memory_space<vmem>> -> memref<56x128xi32, #tpu.memory_space<vmem>>
        %dma_start3A_42 = arith.constant 0 : i32
        %dma_start3A_43 = tpu.memref_slice %arg4[%add3A_39, %dma_start3A_42] : memref<2560x128xi32, #tpu.memory_space<hbm>> -> memref<56x128xi32, #tpu.memory_space<hbm>>
        %dma_start3A_44 = arith.constant 0 : i32
        %dma_start3A_45 = arith.constant 0 : i32
        %dma_start3A_46 = tpu.memref_slice %arg7[%dma_start3A_44, %dma_start3A_45] : memref<104x128xi32, #tpu.memory_space<vmem>> -> memref<56x128xi32, #tpu.memory_space<vmem>>
        %dma_start3A_47 = arith.constant 0 : i32
        %dma_start3A_48 = tpu.memref_slice %arg4[%add3A_39, %dma_start3A_47] : memref<2560x128xi32, #tpu.memory_space<hbm>> -> memref<56x128xi32, #tpu.memory_space<hbm>>
        tpu.enqueue_dma source(%dma_start3A_48 : memref<56x128xi32, #tpu.memory_space<hbm>>) target(%dma_start3A_46 : memref<56x128xi32, #tpu.memory_space<vmem>>) target_semaphore(%run_scoped3A : memref<!tpu.dma_semaphore, #tpu.memory_space<semaphore_mem>>)
        %dma_wait3A = arith.constant 0 : i32
        %dma_wait3A_49 = arith.constant 0 : i32
        %dma_wait3A_50 = tpu.memref_slice %arg7[%dma_wait3A, %dma_wait3A_49] : memref<104x128xi32, #tpu.memory_space<vmem>> -> memref<56x128xi32, #tpu.memory_space<vmem>>
        %dma_wait3A_51 = arith.constant 0 : i32
        %dma_wait3A_52 = tpu.memref_slice %arg4[%add3A_39, %dma_wait3A_51] : memref<2560x128xi32, #tpu.memory_space<hbm>> -> memref<56x128xi32, #tpu.memory_space<hbm>>
        %dma_wait3A_53 = arith.constant 0 : i32
        %dma_wait3A_54 = arith.constant 0 : i32
        %dma_wait3A_55 = tpu.memref_slice %arg7[%dma_wait3A_53, %dma_wait3A_54] : memref<104x128xi32, #tpu.memory_space<vmem>> -> memref<56x128xi32, #tpu.memory_space<vmem>>
        %dma_wait3A_56 = arith.constant 0 : i32
        %dma_wait3A_57 = tpu.memref_slice %arg4[%add3A_39, %dma_wait3A_56] : memref<2560x128xi32, #tpu.memory_space<hbm>> -> memref<56x128xi32, #tpu.memory_space<hbm>>
        tpu.wait_dma2 semaphore(%run_scoped3A : memref<!tpu.dma_semaphore, #tpu.memory_space<semaphore_mem>>) src(%dma_wait3A_57 : memref<56x128xi32, #tpu.memory_space<hbm>>) dst(%dma_wait3A_55 : memref<56x128xi32, #tpu.memory_space<vmem>>)
        tpu.yield
      }) : () -> ()
      "tpu.region"() ({
        %run_scoped3A = tpu.sem_alloc : memref<!tpu.dma_semaphore, #tpu.memory_space<semaphore_mem>>
        %dma_start3A = arith.constant 0 : i32
        %dma_start3A_40 = arith.constant 0 : i32
        %dma_start3A_41 = tpu.memref_slice %arg8[%dma_start3A, %dma_start3A_40] : memref<104x128xi32, #tpu.memory_space<vmem>> -> memref<56x128xi32, #tpu.memory_space<vmem>>
        %dma_start3A_42 = arith.constant 0 : i32
        %dma_start3A_43 = tpu.memref_slice %arg5[%add3A_39, %dma_start3A_42] : memref<2560x128xi32, #tpu.memory_space<hbm>> -> memref<56x128xi32, #tpu.memory_space<hbm>>
        %dma_start3A_44 = arith.constant 0 : i32
        %dma_start3A_45 = arith.constant 0 : i32
        %dma_start3A_46 = tpu.memref_slice %arg8[%dma_start3A_44, %dma_start3A_45] : memref<104x128xi32, #tpu.memory_space<vmem>> -> memref<56x128xi32, #tpu.memory_space<vmem>>
        %dma_start3A_47 = arith.constant 0 : i32
        %dma_start3A_48 = tpu.memref_slice %arg5[%add3A_39, %dma_start3A_47] : memref<2560x128xi32, #tpu.memory_space<hbm>> -> memref<56x128xi32, #tpu.memory_space<hbm>>
        tpu.enqueue_dma source(%dma_start3A_48 : memref<56x128xi32, #tpu.memory_space<hbm>>) target(%dma_start3A_46 : memref<56x128xi32, #tpu.memory_space<vmem>>) target_semaphore(%run_scoped3A : memref<!tpu.dma_semaphore, #tpu.memory_space<semaphore_mem>>)
        %dma_wait3A = arith.constant 0 : i32
        %dma_wait3A_49 = arith.constant 0 : i32
        %dma_wait3A_50 = tpu.memref_slice %arg8[%dma_wait3A, %dma_wait3A_49] : memref<104x128xi32, #tpu.memory_space<vmem>> -> memref<56x128xi32, #tpu.memory_space<vmem>>
        %dma_wait3A_51 = arith.constant 0 : i32
        %dma_wait3A_52 = tpu.memref_slice %arg5[%add3A_39, %dma_wait3A_51] : memref<2560x128xi32, #tpu.memory_space<hbm>> -> memref<56x128xi32, #tpu.memory_space<hbm>>
        %dma_wait3A_53 = arith.constant 0 : i32
        %dma_wait3A_54 = arith.constant 0 : i32
        %dma_wait3A_55 = tpu.memref_slice %arg8[%dma_wait3A_53, %dma_wait3A_54] : memref<104x128xi32, #tpu.memory_space<vmem>> -> memref<56x128xi32, #tpu.memory_space<vmem>>
        %dma_wait3A_56 = arith.constant 0 : i32
        %dma_wait3A_57 = tpu.memref_slice %arg5[%add3A_39, %dma_wait3A_56] : memref<2560x128xi32, #tpu.memory_space<hbm>> -> memref<56x128xi32, #tpu.memory_space<hbm>>
        tpu.wait_dma2 semaphore(%run_scoped3A : memref<!tpu.dma_semaphore, #tpu.memory_space<semaphore_mem>>) src(%dma_wait3A_57 : memref<56x128xi32, #tpu.memory_space<hbm>>) dst(%dma_wait3A_55 : memref<56x128xi32, #tpu.memory_space<vmem>>)
        tpu.yield
      }) : () -> ()
    } else {
    }
    %barrier3A = arith.constant 0 : index
    tpu.barrier barrier_id(%barrier3A)
    %eq3A_17 = arith.constant 0 : i32
    %eq3A_18 = arith.cmpi eq, %arg0, %eq3A_17 : i32
    %jit3A = arith.constant 104 : i32
    %jit3A_19 = arith.constant 56 : i32
    %select_n3A = arith.select %eq3A_18, %jit3A, %jit3A_19 : i32
    %sub3A = arith.constant 0 : i32
    %sub3A_20 = arith.subi %select_n3A, %sub3A : i32
    %sub3A_21 = arith.constant 1 : i32
    %sub3A_22 = arith.constant 1 : i32
    %sub3A_23 = arith.subi %sub3A_21, %sub3A_22 : i32
    %add3A = arith.addi %sub3A_20, %sub3A_23 : i32
    %div3A = arith.constant 1 : i32
    %div3A_24 = arith.divsi %add3A, %div3A : i32
    %while3A = arith.constant 1 : i32
    %while3A_25 = arith.constant 0 : i32
    %while3A_26 = arith.constant 0 : i32
    %while3A_27 = arith.subi %div3A_24, %while3A_26 : i32
    %while3A_28 = arith.addi %while3A_26, %while3A_27 : i32
    %while3A_29 = arith.constant 1 : i32
    %while3A_30 = arith.divsi %while3A_27, %while3A_29 : i32
    %while3A_31 = arith.muli %while3A_30, %while3A_29 : i32
    %while3A_32 = arith.addi %while3A_26, %while3A_31 : i32
    %while3A_33 = arith.constant 1 : i32
    scf.for %while3A_36 = %while3A_26 to %while3A_32 step %while3A_33  : i32 {
      %mul3A_37 = arith.muli %while3A_36, %while3A : i32
      %add3A_38 = arith.addi %while3A_25, %mul3A_37 : i32
      "tpu.region"() ({
        %run_scoped3A = tpu.sem_alloc : memref<!tpu.dma_semaphore, #tpu.memory_space<semaphore_mem>>
        %dma_start3A = arith.constant 0 : i32
        %dma_start3A_39 = tpu.memref_slice %arg7[%add3A_38, %dma_start3A] : memref<104x128xi32, #tpu.memory_space<vmem>> -> memref<1x128xi32, #tpu.memory_space<vmem>>
        %dma_start3A_40 = tpu.memref_squeeze %dma_start3A_39 : memref<1x128xi32, #tpu.memory_space<vmem>> -> memref<128xi32, #tpu.memory_space<vmem>>
        %dma_start3A_41 = arith.constant 0 : i32
        %dma_start3A_42 = arith.constant 0 : i32
        %dma_start3A_43 = tpu.memref_slice %arg2[%dma_start3A_41, %dma_start3A_42] : memref<10000x128xf32, #tpu.memory_space<hbm>> -> memref<10000x128xf32, #tpu.memory_space<hbm>>
        tpu.enqueue_indirect_dma source(%dma_start3A_43 : memref<10000x128xf32, #tpu.memory_space<hbm>>) target(%arg9 : memref<128x128xf32, #tpu.memory_space<vmem>>) offsets(%dma_start3A_40 : memref<128xi32, #tpu.memory_space<vmem>>) semaphore(%run_scoped3A : memref<!tpu.dma_semaphore, #tpu.memory_space<semaphore_mem>>)
        %dma_wait3A = arith.constant 0 : i32
        %dma_wait3A_44 = tpu.memref_slice %arg7[%add3A_38, %dma_wait3A] : memref<104x128xi32, #tpu.memory_space<vmem>> -> memref<1x128xi32, #tpu.memory_space<vmem>>
        %dma_wait3A_45 = tpu.memref_squeeze %dma_wait3A_44 : memref<1x128xi32, #tpu.memory_space<vmem>> -> memref<128xi32, #tpu.memory_space<vmem>>
        %dma_wait3A_46 = arith.constant 0 : i32
        %dma_wait3A_47 = arith.constant 0 : i32
        %dma_wait3A_48 = tpu.memref_slice %arg2[%dma_wait3A_46, %dma_wait3A_47] : memref<10000x128xf32, #tpu.memory_space<hbm>> -> memref<10000x128xf32, #tpu.memory_space<hbm>>
        tpu.wait_indirect_dma semaphore(%run_scoped3A : memref<!tpu.dma_semaphore, #tpu.memory_space<semaphore_mem>>) src(%dma_wait3A_48 : memref<10000x128xf32, #tpu.memory_space<hbm>>) dst(%arg9 : memref<128x128xf32, #tpu.memory_space<vmem>>)
        tpu.yield
      }) : () -> ()
      "tpu.region"() ({
        %run_scoped3A = tpu.sem_alloc : memref<!tpu.dma_semaphore, #tpu.memory_space<semaphore_mem>>
        %dma_start3A = arith.constant 0 : i32
        %dma_start3A_39 = tpu.memref_slice %arg8[%add3A_38, %dma_start3A] : memref<104x128xi32, #tpu.memory_space<vmem>> -> memref<1x128xi32, #tpu.memory_space<vmem>>
        %dma_start3A_40 = tpu.memref_squeeze %dma_start3A_39 : memref<1x128xi32, #tpu.memory_space<vmem>> -> memref<128xi32, #tpu.memory_space<vmem>>
        %dma_start3A_41 = arith.constant 0 : i32
        %dma_start3A_42 = arith.constant 0 : i32
        %dma_start3A_43 = tpu.memref_slice %arg10[%dma_start3A_41, %dma_start3A_42] : memref<10240x128xf32, #tpu.memory_space<vmem_shared>> -> memref<10240x128xf32, #tpu.memory_space<vmem_shared>>
        tpu.enqueue_indirect_dma source(%arg9 : memref<128x128xf32, #tpu.memory_space<vmem>>) target(%dma_start3A_43 : memref<10240x128xf32, #tpu.memory_space<vmem_shared>>) offsets(%dma_start3A_40 : memref<128xi32, #tpu.memory_space<vmem>>) semaphore(%run_scoped3A : memref<!tpu.dma_semaphore, #tpu.memory_space<semaphore_mem>>) {add = true}
        %dma_wait3A = arith.constant 0 : i32
        %dma_wait3A_44 = tpu.memref_slice %arg8[%add3A_38, %dma_wait3A] : memref<104x128xi32, #tpu.memory_space<vmem>> -> memref<1x128xi32, #tpu.memory_space<vmem>>
        %dma_wait3A_45 = tpu.memref_squeeze %dma_wait3A_44 : memref<1x128xi32, #tpu.memory_space<vmem>> -> memref<128xi32, #tpu.memory_space<vmem>>
        %dma_wait3A_46 = arith.constant 0 : i32
        %dma_wait3A_47 = arith.constant 0 : i32
        %dma_wait3A_48 = tpu.memref_slice %arg10[%dma_wait3A_46, %dma_wait3A_47] : memref<10240x128xf32, #tpu.memory_space<vmem_shared>> -> memref<10240x128xf32, #tpu.memory_space<vmem_shared>>
        tpu.wait_indirect_dma semaphore(%run_scoped3A : memref<!tpu.dma_semaphore, #tpu.memory_space<semaphore_mem>>) src(%arg9 : memref<128x128xf32, #tpu.memory_space<vmem>>) dst(%dma_wait3A_48 : memref<10240x128xf32, #tpu.memory_space<vmem_shared>>)
        tpu.yield
      }) : () -> ()
    }
    %while3A_34 = arith.constant 1 : i32
    scf.for %while3A_36 = %while3A_32 to %while3A_28 step %while3A_34  : i32 {
      %mul3A_37 = arith.muli %while3A_36, %while3A : i32
      %add3A_38 = arith.addi %while3A_25, %mul3A_37 : i32
      "tpu.region"() ({
        %run_scoped3A = tpu.sem_alloc : memref<!tpu.dma_semaphore, #tpu.memory_space<semaphore_mem>>
        %dma_start3A = arith.constant 0 : i32
        %dma_start3A_39 = tpu.memref_slice %arg7[%add3A_38, %dma_start3A] : memref<104x128xi32, #tpu.memory_space<vmem>> -> memref<1x128xi32, #tpu.memory_space<vmem>>
        %dma_start3A_40 = tpu.memref_squeeze %dma_start3A_39 : memref<1x128xi32, #tpu.memory_space<vmem>> -> memref<128xi32, #tpu.memory_space<vmem>>
        %dma_start3A_41 = arith.constant 0 : i32
        %dma_start3A_42 = arith.constant 0 : i32
        %dma_start3A_43 = tpu.memref_slice %arg2[%dma_start3A_41, %dma_start3A_42] : memref<10000x128xf32, #tpu.memory_space<hbm>> -> memref<10000x128xf32, #tpu.memory_space<hbm>>
        tpu.enqueue_indirect_dma source(%dma_start3A_43 : memref<10000x128xf32, #tpu.memory_space<hbm>>) target(%arg9 : memref<128x128xf32, #tpu.memory_space<vmem>>) offsets(%dma_start3A_40 : memref<128xi32, #tpu.memory_space<vmem>>) semaphore(%run_scoped3A : memref<!tpu.dma_semaphore, #tpu.memory_space<semaphore_mem>>)
        %dma_wait3A = arith.constant 0 : i32
        %dma_wait3A_44 = tpu.memref_slice %arg7[%add3A_38, %dma_wait3A] : memref<104x128xi32, #tpu.memory_space<vmem>> -> memref<1x128xi32, #tpu.memory_space<vmem>>
        %dma_wait3A_45 = tpu.memref_squeeze %dma_wait3A_44 : memref<1x128xi32, #tpu.memory_space<vmem>> -> memref<128xi32, #tpu.memory_space<vmem>>
        %dma_wait3A_46 = arith.constant 0 : i32
        %dma_wait3A_47 = arith.constant 0 : i32
        %dma_wait3A_48 = tpu.memref_slice %arg2[%dma_wait3A_46, %dma_wait3A_47] : memref<10000x128xf32, #tpu.memory_space<hbm>> -> memref<10000x128xf32, #tpu.memory_space<hbm>>
        tpu.wait_indirect_dma semaphore(%run_scoped3A : memref<!tpu.dma_semaphore, #tpu.memory_space<semaphore_mem>>) src(%dma_wait3A_48 : memref<10000x128xf32, #tpu.memory_space<hbm>>) dst(%arg9 : memref<128x128xf32, #tpu.memory_space<vmem>>)
        tpu.yield
      }) : () -> ()
      "tpu.region"() ({
        %run_scoped3A = tpu.sem_alloc : memref<!tpu.dma_semaphore, #tpu.memory_space<semaphore_mem>>
        %dma_start3A = arith.constant 0 : i32
        %dma_start3A_39 = tpu.memref_slice %arg8[%add3A_38, %dma_start3A] : memref<104x128xi32, #tpu.memory_space<vmem>> -> memref<1x128xi32, #tpu.memory_space<vmem>>
        %dma_start3A_40 = tpu.memref_squeeze %dma_start3A_39 : memref<1x128xi32, #tpu.memory_space<vmem>> -> memref<128xi32, #tpu.memory_space<vmem>>
        %dma_start3A_41 = arith.constant 0 : i32
        %dma_start3A_42 = arith.constant 0 : i32
        %dma_start3A_43 = tpu.memref_slice %arg10[%dma_start3A_41, %dma_start3A_42] : memref<10240x128xf32, #tpu.memory_space<vmem_shared>> -> memref<10240x128xf32, #tpu.memory_space<vmem_shared>>
        tpu.enqueue_indirect_dma source(%arg9 : memref<128x128xf32, #tpu.memory_space<vmem>>) target(%dma_start3A_43 : memref<10240x128xf32, #tpu.memory_space<vmem_shared>>) offsets(%dma_start3A_40 : memref<128xi32, #tpu.memory_space<vmem>>) semaphore(%run_scoped3A : memref<!tpu.dma_semaphore, #tpu.memory_space<semaphore_mem>>) {add = true}
        %dma_wait3A = arith.constant 0 : i32
        %dma_wait3A_44 = tpu.memref_slice %arg8[%add3A_38, %dma_wait3A] : memref<104x128xi32, #tpu.memory_space<vmem>> -> memref<1x128xi32, #tpu.memory_space<vmem>>
        %dma_wait3A_45 = tpu.memref_squeeze %dma_wait3A_44 : memref<1x128xi32, #tpu.memory_space<vmem>> -> memref<128xi32, #tpu.memory_space<vmem>>
        %dma_wait3A_46 = arith.constant 0 : i32
        %dma_wait3A_47 = arith.constant 0 : i32
        %dma_wait3A_48 = tpu.memref_slice %arg10[%dma_wait3A_46, %dma_wait3A_47] : memref<10240x128xf32, #tpu.memory_space<vmem_shared>> -> memref<10240x128xf32, #tpu.memory_space<vmem_shared>>
        tpu.wait_indirect_dma semaphore(%run_scoped3A : memref<!tpu.dma_semaphore, #tpu.memory_space<semaphore_mem>>) src(%arg9 : memref<128x128xf32, #tpu.memory_space<vmem>>) dst(%dma_wait3A_48 : memref<10240x128xf32, #tpu.memory_space<vmem_shared>>)
        tpu.yield
      }) : () -> ()
    }
    %barrier3A_35 = arith.constant 0 : index
    tpu.barrier barrier_id(%barrier3A_35)
    "tpu.region"() ({
      %run_scoped3A = tpu.sem_alloc : memref<!tpu.dma_semaphore, #tpu.memory_space<semaphore_mem>>
      %dma_start3A = arith.constant 0 : i32
      %dma_start3A_36 = tpu.memref_slice %arg6[%arg0, %mul3A_0, %dma_start3A] : memref<2x10240x128xf32, #tpu.memory_space<hbm>> -> memref<1x640x128xf32, #tpu.memory_space<hbm>>
      %dma_start3A_37 = tpu.memref_squeeze %dma_start3A_36 : memref<1x640x128xf32, #tpu.memory_space<hbm>> -> memref<640x128xf32, #tpu.memory_space<hbm>>
      %dma_start3A_38 = arith.constant 0 : i32
      %dma_start3A_39 = tpu.memref_slice %arg10[%mul3A_0, %dma_start3A_38] : memref<10240x128xf32, #tpu.memory_space<vmem_shared>> -> memref<640x128xf32, #tpu.memory_space<vmem_shared>>
      tpu.enqueue_dma source(%dma_start3A_39 : memref<640x128xf32, #tpu.memory_space<vmem_shared>>) target(%dma_start3A_37 : memref<640x128xf32, #tpu.memory_space<hbm>>) target_semaphore(%run_scoped3A : memref<!tpu.dma_semaphore, #tpu.memory_space<semaphore_mem>>)
      %dma_wait3A = arith.constant 0 : i32
      %dma_wait3A_40 = tpu.memref_slice %arg6[%arg0, %mul3A_0, %dma_wait3A] : memref<2x10240x128xf32, #tpu.memory_space<hbm>> -> memref<1x640x128xf32, #tpu.memory_space<hbm>>
      %dma_wait3A_41 = tpu.memref_squeeze %dma_wait3A_40 : memref<1x640x128xf32, #tpu.memory_space<hbm>> -> memref<640x128xf32, #tpu.memory_space<hbm>>
      %dma_wait3A_42 = arith.constant 0 : i32
      %dma_wait3A_43 = tpu.memref_slice %arg10[%mul3A_0, %dma_wait3A_42] : memref<10240x128xf32, #tpu.memory_space<vmem_shared>> -> memref<640x128xf32, #tpu.memory_space<vmem_shared>>
      tpu.wait_dma2 semaphore(%run_scoped3A : memref<!tpu.dma_semaphore, #tpu.memory_space<semaphore_mem>>) src(%dma_wait3A_43 : memref<640x128xf32, #tpu.memory_space<vmem_shared>>) dst(%dma_wait3A_41 : memref<640x128xf32, #tpu.memory_space<hbm>>)
      tpu.yield
    }) : () -> ()
    return
  }
}

#map = affine_map<(d0, d1) -> (0, 0, 0)>
#map1 = affine_map<(d0, d1) -> (0)>
module attributes {stable_mosaic.version = 14 : i64} {
  func.func @sc_deg(%arg0: i32, %arg1: i32, %arg2: memref<32x80x128xi32, #tpu.memory_space<hbm>>, %arg3: memref<20480xf32, #tpu.memory_space<hbm>>, %arg4: memref<80x128xi32, #tpu.memory_space<vmem>>, %arg5: memref<128xf32, #tpu.memory_space<vmem>>, %arg6: memref<640xf32, #tpu.memory_space<vmem>>, %arg7: memref<10240xf32, #tpu.memory_space<vmem_shared>>) attributes {dimension_semantics = [#tpu.dimension_semantics<core_parallel>, #tpu.dimension_semantics<subcore_parallel>], iteration_bounds = array<i64: 2, 16>, scalar_prefetch = 0 : i64, scratch_operands = 4 : i64, tpu.core_type = #tpu.core_type<sc_vector_subcore>, window_params = [{transform_indices = #map}, {transform_indices = #map1}]} {
    %mul3A = arith.constant 16 : i32
    %mul3A_0 = arith.muli %arg0, %mul3A : i32
    %add3A = arith.addi %mul3A_0, %arg1 : i32
    "tpu.region"() ({
      %run_scoped3A = tpu.sem_alloc : memref<!tpu.dma_semaphore, #tpu.memory_space<semaphore_mem>>
      %dma_start3A = arith.constant 0 : i32
      %dma_start3A_25 = arith.constant 0 : i32
      %dma_start3A_26 = tpu.memref_slice %arg2[%add3A, %dma_start3A, %dma_start3A_25] : memref<32x80x128xi32, #tpu.memory_space<hbm>> -> memref<1x80x128xi32, #tpu.memory_space<hbm>>
      %dma_start3A_27 = tpu.memref_squeeze %dma_start3A_26 : memref<1x80x128xi32, #tpu.memory_space<hbm>> -> memref<80x128xi32, #tpu.memory_space<hbm>>
      %dma_start3A_28 = arith.constant 0 : i32
      %dma_start3A_29 = arith.constant 0 : i32
      %dma_start3A_30 = tpu.memref_slice %arg2[%add3A, %dma_start3A_28, %dma_start3A_29] : memref<32x80x128xi32, #tpu.memory_space<hbm>> -> memref<1x80x128xi32, #tpu.memory_space<hbm>>
      %dma_start3A_31 = tpu.memref_squeeze %dma_start3A_30 : memref<1x80x128xi32, #tpu.memory_space<hbm>> -> memref<80x128xi32, #tpu.memory_space<hbm>>
      tpu.enqueue_dma source(%dma_start3A_31 : memref<80x128xi32, #tpu.memory_space<hbm>>) target(%arg4 : memref<80x128xi32, #tpu.memory_space<vmem>>) target_semaphore(%run_scoped3A : memref<!tpu.dma_semaphore, #tpu.memory_space<semaphore_mem>>)
      %dma_wait3A = arith.constant 0 : i32
      %dma_wait3A_32 = arith.constant 0 : i32
      %dma_wait3A_33 = tpu.memref_slice %arg2[%add3A, %dma_wait3A, %dma_wait3A_32] : memref<32x80x128xi32, #tpu.memory_space<hbm>> -> memref<1x80x128xi32, #tpu.memory_space<hbm>>
      %dma_wait3A_34 = tpu.memref_squeeze %dma_wait3A_33 : memref<1x80x128xi32, #tpu.memory_space<hbm>> -> memref<80x128xi32, #tpu.memory_space<hbm>>
      %dma_wait3A_35 = arith.constant 0 : i32
      %dma_wait3A_36 = arith.constant 0 : i32
      %dma_wait3A_37 = tpu.memref_slice %arg2[%add3A, %dma_wait3A_35, %dma_wait3A_36] : memref<32x80x128xi32, #tpu.memory_space<hbm>> -> memref<1x80x128xi32, #tpu.memory_space<hbm>>
      %dma_wait3A_38 = tpu.memref_squeeze %dma_wait3A_37 : memref<1x80x128xi32, #tpu.memory_space<hbm>> -> memref<80x128xi32, #tpu.memory_space<hbm>>
      tpu.wait_dma2 semaphore(%run_scoped3A : memref<!tpu.dma_semaphore, #tpu.memory_space<semaphore_mem>>) src(%dma_wait3A_38 : memref<80x128xi32, #tpu.memory_space<hbm>>) dst(%arg4 : memref<80x128xi32, #tpu.memory_space<vmem>>)
      tpu.yield
    }) : () -> ()
    %scan3A = arith.constant 0 : i32
    %scan3A_1 = arith.constant 8 : i32
    %scan3A_2 = arith.addi %scan3A, %scan3A_1 : i32
    %scan3A_3 = arith.constant 1 : i32
    scf.for %scan3A_25 = %scan3A to %scan3A_2 step %scan3A_3  : i32 {
      %mul3A_26 = arith.constant 16 : i32
      %mul3A_27 = arith.muli %scan3A_25, %mul3A_26 : i32
      %add3A_28 = arith.constant 0 : i32
      %add3A_29 = arith.addi %add3A_28, %mul3A_27 : i32
      %broadcast_in_dim3A = arith.constant 1.000000e+00 : f32
      %broadcast_in_dim3A_30 = vector.broadcast %broadcast_in_dim3A : f32 to vector<16xf32>
      %multiple_of3A = tpu.assume_multiple %add3A_29, 16 : i32
      %swap3A = arith.index_cast %multiple_of3A : i32 to index
      %swap3A_31 = tpu.vector_load %arg5[%swap3A] {strides = array<i32>} : memref<128xf32, #tpu.memory_space<vmem>>, vector<16xf32>,
      %swap3A_32 = vector.shape_cast %swap3A_31 : vector<16xf32> to vector<16xf32>
      %swap3A_33 = vector.shape_cast %broadcast_in_dim3A_30 : vector<16xf32> to vector<16xf32>
      tpu.vector_store %arg5[%swap3A], %swap3A_33 {strides = array<i32>} : memref<128xf32, #tpu.memory_space<vmem>>, vector<16xf32>,
    }
    %scan3A_4 = arith.constant 8 : i32
    %scan3A_5 = arith.constant 0 : i32
    %scan3A_6 = arith.constant 40 : i32
    %scan3A_7 = arith.addi %scan3A_5, %scan3A_6 : i32
    %scan3A_8 = arith.constant 1 : i32
    scf.for %scan3A_25 = %scan3A_5 to %scan3A_7 step %scan3A_8  : i32 {
      %mul3A_26 = arith.constant 16 : i32
      %mul3A_27 = arith.muli %scan3A_25, %mul3A_26 : i32
      %add3A_28 = arith.constant 0 : i32
      %add3A_29 = arith.addi %add3A_28, %mul3A_27 : i32
      %broadcast_in_dim3A = arith.constant 0.000000e+00 : f32
      %broadcast_in_dim3A_30 = vector.broadcast %broadcast_in_dim3A : f32 to vector<16xf32>
      %multiple_of3A = tpu.assume_multiple %add3A_29, 16 : i32
      %swap3A = arith.index_cast %multiple_of3A : i32 to index
      %swap3A_31 = tpu.vector_load %arg6[%swap3A] {strides = array<i32>} : memref<640xf32, #tpu.memory_space<vmem>>, vector<16xf32>,
      %swap3A_32 = vector.shape_cast %swap3A_31 : vector<16xf32> to vector<16xf32>
      %swap3A_33 = vector.shape_cast %broadcast_in_dim3A_30 : vector<16xf32> to vector<16xf32>
      tpu.vector_store %arg6[%swap3A], %swap3A_33 {strides = array<i32>} : memref<640xf32, #tpu.memory_space<vmem>>, vector<16xf32>,
    }
    %scan3A_9 = arith.constant 40 : i32
    %mul3A_10 = arith.constant 640 : i32
    %mul3A_11 = arith.muli %arg1, %mul3A_10 : i32
    "tpu.region"() ({
      %run_scoped3A = tpu.sem_alloc : memref<!tpu.dma_semaphore, #tpu.memory_space<semaphore_mem>>
      %dma_start3A = tpu.memref_slice %arg7[%mul3A_11] : memref<10240xf32, #tpu.memory_space<vmem_shared>> -> memref<640xf32, #tpu.memory_space<vmem_shared>>
      %dma_start3A_25 = tpu.memref_slice %arg7[%mul3A_11] : memref<10240xf32, #tpu.memory_space<vmem_shared>> -> memref<640xf32, #tpu.memory_space<vmem_shared>>
      tpu.enqueue_dma source(%arg6 : memref<640xf32, #tpu.memory_space<vmem>>) target(%dma_start3A_25 : memref<640xf32, #tpu.memory_space<vmem_shared>>) target_semaphore(%run_scoped3A : memref<!tpu.dma_semaphore, #tpu.memory_space<semaphore_mem>>)
      %dma_wait3A = tpu.memref_slice %arg7[%mul3A_11] : memref<10240xf32, #tpu.memory_space<vmem_shared>> -> memref<640xf32, #tpu.memory_space<vmem_shared>>
      %dma_wait3A_26 = tpu.memref_slice %arg7[%mul3A_11] : memref<10240xf32, #tpu.memory_space<vmem_shared>> -> memref<640xf32, #tpu.memory_space<vmem_shared>>
      tpu.wait_dma2 semaphore(%run_scoped3A : memref<!tpu.dma_semaphore, #tpu.memory_space<semaphore_mem>>) src(%arg6 : memref<640xf32, #tpu.memory_space<vmem>>) dst(%dma_wait3A_26 : memref<640xf32, #tpu.memory_space<vmem_shared>>)
      tpu.yield
    }) : () -> ()
    %barrier3A = arith.constant 0 : index
    tpu.barrier barrier_id(%barrier3A)
    %scan3A_12 = arith.constant 0 : i32
    %scan3A_13 = arith.constant 80 : i32
    %scan3A_14 = arith.addi %scan3A_12, %scan3A_13 : i32
    %scan3A_15 = arith.constant 1 : i32
    scf.for %scan3A_25 = %scan3A_12 to %scan3A_14 step %scan3A_15  : i32 {
      %mul3A_26 = arith.constant 1 : i32
      %mul3A_27 = arith.muli %scan3A_25, %mul3A_26 : i32
      %add3A_28 = arith.constant 0 : i32
      %add3A_29 = arith.addi %add3A_28, %mul3A_27 : i32
      "tpu.region"() ({
        %run_scoped3A = tpu.sem_alloc : memref<!tpu.dma_semaphore, #tpu.memory_space<semaphore_mem>>
        %dma_start3A = arith.constant 0 : i32
        %dma_start3A_30 = tpu.memref_slice %arg4[%add3A_29, %dma_start3A] : memref<80x128xi32, #tpu.memory_space<vmem>> -> memref<1x128xi32, #tpu.memory_space<vmem>>
        %dma_start3A_31 = tpu.memref_squeeze %dma_start3A_30 : memref<1x128xi32, #tpu.memory_space<vmem>> -> memref<128xi32, #tpu.memory_space<vmem>>
        %dma_start3A_32 = arith.constant 0 : i32
        %dma_start3A_33 = tpu.memref_slice %arg7[%dma_start3A_32] : memref<10240xf32, #tpu.memory_space<vmem_shared>> -> memref<10240xf32, #tpu.memory_space<vmem_shared>>
        tpu.enqueue_indirect_dma source(%arg5 : memref<128xf32, #tpu.memory_space<vmem>>) target(%dma_start3A_33 : memref<10240xf32, #tpu.memory_space<vmem_shared>>) offsets(%dma_start3A_31 : memref<128xi32, #tpu.memory_space<vmem>>) semaphore(%run_scoped3A : memref<!tpu.dma_semaphore, #tpu.memory_space<semaphore_mem>>) {add = true}
        %dma_wait3A = arith.constant 0 : i32
        %dma_wait3A_34 = tpu.memref_slice %arg4[%add3A_29, %dma_wait3A] : memref<80x128xi32, #tpu.memory_space<vmem>> -> memref<1x128xi32, #tpu.memory_space<vmem>>
        %dma_wait3A_35 = tpu.memref_squeeze %dma_wait3A_34 : memref<1x128xi32, #tpu.memory_space<vmem>> -> memref<128xi32, #tpu.memory_space<vmem>>
        %dma_wait3A_36 = arith.constant 0 : i32
        %dma_wait3A_37 = tpu.memref_slice %arg7[%dma_wait3A_36] : memref<10240xf32, #tpu.memory_space<vmem_shared>> -> memref<10240xf32, #tpu.memory_space<vmem_shared>>
        tpu.wait_indirect_dma semaphore(%run_scoped3A : memref<!tpu.dma_semaphore, #tpu.memory_space<semaphore_mem>>) src(%arg5 : memref<128xf32, #tpu.memory_space<vmem>>) dst(%dma_wait3A_37 : memref<10240xf32, #tpu.memory_space<vmem_shared>>)
        tpu.yield
      }) : () -> ()
    }
    %scan3A_16 = arith.constant 80 : i32
    %barrier3A_17 = arith.constant 0 : index
    tpu.barrier barrier_id(%barrier3A_17)
    %mul3A_18 = arith.constant 640 : i32
    %mul3A_19 = arith.muli %arg1, %mul3A_18 : i32
    %mul3A_20 = arith.constant 10240 : i32
    %mul3A_21 = arith.muli %arg0, %mul3A_20 : i32
    %mul3A_22 = arith.constant 640 : i32
    %mul3A_23 = arith.muli %arg1, %mul3A_22 : i32
    %add3A_24 = arith.addi %mul3A_21, %mul3A_23 : i32
    "tpu.region"() ({
      %run_scoped3A = tpu.sem_alloc : memref<!tpu.dma_semaphore, #tpu.memory_space<semaphore_mem>>
      %dma_start3A = tpu.memref_slice %arg3[%add3A_24] : memref<20480xf32, #tpu.memory_space<hbm>> -> memref<640xf32, #tpu.memory_space<hbm>>
      %dma_start3A_25 = tpu.memref_slice %arg7[%mul3A_19] : memref<10240xf32, #tpu.memory_space<vmem_shared>> -> memref<640xf32, #tpu.memory_space<vmem_shared>>
      tpu.enqueue_dma source(%dma_start3A_25 : memref<640xf32, #tpu.memory_space<vmem_shared>>) target(%dma_start3A : memref<640xf32, #tpu.memory_space<hbm>>) target_semaphore(%run_scoped3A : memref<!tpu.dma_semaphore, #tpu.memory_space<semaphore_mem>>)
      %dma_wait3A = tpu.memref_slice %arg3[%add3A_24] : memref<20480xf32, #tpu.memory_space<hbm>> -> memref<640xf32, #tpu.memory_space<hbm>>
      %dma_wait3A_26 = tpu.memref_slice %arg7[%mul3A_19] : memref<10240xf32, #tpu.memory_space<vmem_shared>> -> memref<640xf32, #tpu.memory_space<vmem_shared>>
      tpu.wait_dma2 semaphore(%run_scoped3A : memref<!tpu.dma_semaphore, #tpu.memory_space<semaphore_mem>>) src(%dma_wait3A_26 : memref<640xf32, #tpu.memory_space<vmem_shared>>) dst(%dma_wait3A : memref<640xf32, #tpu.memory_space<hbm>>)
      tpu.yield
    }) : () -> ()
    return
  }
}

#map = affine_map<(d0, d1) -> (0, 0)>
#map1 = affine_map<(d0, d1) -> (0, 0, 0)>
module attributes {stable_mosaic.version = 14 : i64} {
  func.func @sc_agg(%arg0: i32, %arg1: i32, %arg2: memref<10000x128xf32, #tpu.memory_space<hbm>>, %arg3: memref<10000x128xf32, #tpu.memory_space<hbm>>, %arg4: memref<2560x128xi32, #tpu.memory_space<hbm>>, %arg5: memref<2560x128xi32, #tpu.memory_space<hbm>>, %arg6: memref<2x10240x128xf32, #tpu.memory_space<hbm>>, %arg7: memref<104x128xi32, #tpu.memory_space<vmem>>, %arg8: memref<104x128xi32, #tpu.memory_space<vmem>>, %arg9: memref<128x128xf32, #tpu.memory_space<vmem>>, %arg10: memref<10240x128xf32, #tpu.memory_space<vmem_shared>>) attributes {dimension_semantics = [#tpu.dimension_semantics<core_parallel>, #tpu.dimension_semantics<subcore_parallel>], iteration_bounds = array<i64: 2, 16>, scalar_prefetch = 0 : i64, scratch_operands = 4 : i64, tpu.core_type = #tpu.core_type<sc_vector_subcore>, window_params = [{transform_indices = #map}, {transform_indices = #map}, {transform_indices = #map}, {transform_indices = #map}, {transform_indices = #map1}]} {
    %mul3A = arith.constant 640 : i32
    %mul3A_0 = arith.muli %arg1, %mul3A : i32
    %eq3A = arith.constant 0 : i32
    %eq3A_1 = arith.cmpi eq, %arg0, %eq3A : i32
    %convert_element_type3A = arith.extui %eq3A_1 : i1 to i32
    %cond3A = arith.constant 0 : i32
    %cond3A_2 = arith.cmpi ne, %convert_element_type3A, %cond3A : i32
    scf.if %cond3A_2 {
      %lt3A = arith.constant 15 : i32
      %lt3A_36 = arith.cmpi slt, %arg1, %lt3A : i32
      %convert_element_type3A_37 = arith.extui %lt3A_36 : i1 to i32
      %cond3A_38 = arith.constant 0 : i32
      %cond3A_39 = arith.cmpi ne, %convert_element_type3A_37, %cond3A_38 : i32
      scf.if %cond3A_39 {
        "tpu.region"() ({
          %run_scoped3A = tpu.sem_alloc : memref<!tpu.dma_semaphore, #tpu.memory_space<semaphore_mem>>
          %dma_start3A = arith.constant 0 : i32
          %dma_start3A_45 = tpu.memref_slice %arg10[%mul3A_0, %dma_start3A] : memref<10240x128xf32, #tpu.memory_space<vmem_shared>> -> memref<640x128xf32, #tpu.memory_space<vmem_shared>>
          %dma_start3A_46 = arith.constant 0 : i32
          %dma_start3A_47 = tpu.memref_slice %arg2[%mul3A_0, %dma_start3A_46] : memref<10000x128xf32, #tpu.memory_space<hbm>> -> memref<640x128xf32, #tpu.memory_space<hbm>>
          tpu.enqueue_dma source(%dma_start3A_47 : memref<640x128xf32, #tpu.memory_space<hbm>>) target(%dma_start3A_45 : memref<640x128xf32, #tpu.memory_space<vmem_shared>>) target_semaphore(%run_scoped3A : memref<!tpu.dma_semaphore, #tpu.memory_space<semaphore_mem>>)
          %dma_wait3A = arith.constant 0 : i32
          %dma_wait3A_48 = tpu.memref_slice %arg10[%mul3A_0, %dma_wait3A] : memref<10240x128xf32, #tpu.memory_space<vmem_shared>> -> memref<640x128xf32, #tpu.memory_space<vmem_shared>>
          %dma_wait3A_49 = arith.constant 0 : i32
          %dma_wait3A_50 = tpu.memref_slice %arg2[%mul3A_0, %dma_wait3A_49] : memref<10000x128xf32, #tpu.memory_space<hbm>> -> memref<640x128xf32, #tpu.memory_space<hbm>>
          tpu.wait_dma2 semaphore(%run_scoped3A : memref<!tpu.dma_semaphore, #tpu.memory_space<semaphore_mem>>) src(%dma_wait3A_50 : memref<640x128xf32, #tpu.memory_space<hbm>>) dst(%dma_wait3A_48 : memref<640x128xf32, #tpu.memory_space<vmem_shared>>)
          tpu.yield
        }) : () -> ()
      } else {
      }
      %eq3A_40 = arith.constant 15 : i32
      %eq3A_41 = arith.cmpi eq, %arg1, %eq3A_40 : i32
      %convert_element_type3A_42 = arith.extui %eq3A_41 : i1 to i32
      %cond3A_43 = arith.constant 0 : i32
      %cond3A_44 = arith.cmpi ne, %convert_element_type3A_42, %cond3A_43 : i32
      scf.if %cond3A_44 {
        "tpu.region"() ({
          %run_scoped3A = tpu.sem_alloc : memref<!tpu.dma_semaphore, #tpu.memory_space<semaphore_mem>>
          %dma_start3A = arith.constant 0 : i32
          %dma_start3A_45 = tpu.memref_slice %arg10[%mul3A_0, %dma_start3A] : memref<10240x128xf32, #tpu.memory_space<vmem_shared>> -> memref<400x128xf32, #tpu.memory_space<vmem_shared>>
          %dma_start3A_46 = arith.constant 0 : i32
          %dma_start3A_47 = tpu.memref_slice %arg2[%mul3A_0, %dma_start3A_46] : memref<10000x128xf32, #tpu.memory_space<hbm>> -> memref<400x128xf32, #tpu.memory_space<hbm>>
          tpu.enqueue_dma source(%dma_start3A_47 : memref<400x128xf32, #tpu.memory_space<hbm>>) target(%dma_start3A_45 : memref<400x128xf32, #tpu.memory_space<vmem_shared>>) target_semaphore(%run_scoped3A : memref<!tpu.dma_semaphore, #tpu.memory_space<semaphore_mem>>)
          %dma_wait3A = arith.constant 0 : i32
          %dma_wait3A_48 = tpu.memref_slice %arg10[%mul3A_0, %dma_wait3A] : memref<10240x128xf32, #tpu.memory_space<vmem_shared>> -> memref<400x128xf32, #tpu.memory_space<vmem_shared>>
          %dma_wait3A_49 = arith.constant 0 : i32
          %dma_wait3A_50 = tpu.memref_slice %arg2[%mul3A_0, %dma_wait3A_49] : memref<10000x128xf32, #tpu.memory_space<hbm>> -> memref<400x128xf32, #tpu.memory_space<hbm>>
          tpu.wait_dma2 semaphore(%run_scoped3A : memref<!tpu.dma_semaphore, #tpu.memory_space<semaphore_mem>>) src(%dma_wait3A_50 : memref<400x128xf32, #tpu.memory_space<hbm>>) dst(%dma_wait3A_48 : memref<400x128xf32, #tpu.memory_space<vmem_shared>>)
          tpu.yield
        }) : () -> ()
      } else {
      }
    } else {
    }
    %ne3A = arith.constant 0 : i32
    %ne3A_3 = arith.cmpi ne, %arg0, %ne3A : i32
    %convert_element_type3A_4 = arith.extui %ne3A_3 : i1 to i32
    %cond3A_5 = arith.constant 0 : i32
    %cond3A_6 = arith.cmpi ne, %convert_element_type3A_4, %cond3A_5 : i32
    scf.if %cond3A_6 {
      %lt3A = arith.constant 15 : i32
      %lt3A_36 = arith.cmpi slt, %arg1, %lt3A : i32
      %convert_element_type3A_37 = arith.extui %lt3A_36 : i1 to i32
      %cond3A_38 = arith.constant 0 : i32
      %cond3A_39 = arith.cmpi ne, %convert_element_type3A_37, %cond3A_38 : i32
      scf.if %cond3A_39 {
        "tpu.region"() ({
          %run_scoped3A = tpu.sem_alloc : memref<!tpu.dma_semaphore, #tpu.memory_space<semaphore_mem>>
          %dma_start3A = arith.constant 0 : i32
          %dma_start3A_45 = tpu.memref_slice %arg10[%mul3A_0, %dma_start3A] : memref<10240x128xf32, #tpu.memory_space<vmem_shared>> -> memref<640x128xf32, #tpu.memory_space<vmem_shared>>
          %dma_start3A_46 = arith.constant 0 : i32
          %dma_start3A_47 = tpu.memref_slice %arg3[%mul3A_0, %dma_start3A_46] : memref<10000x128xf32, #tpu.memory_space<hbm>> -> memref<640x128xf32, #tpu.memory_space<hbm>>
          tpu.enqueue_dma source(%dma_start3A_47 : memref<640x128xf32, #tpu.memory_space<hbm>>) target(%dma_start3A_45 : memref<640x128xf32, #tpu.memory_space<vmem_shared>>) target_semaphore(%run_scoped3A : memref<!tpu.dma_semaphore, #tpu.memory_space<semaphore_mem>>)
          %dma_wait3A = arith.constant 0 : i32
          %dma_wait3A_48 = tpu.memref_slice %arg10[%mul3A_0, %dma_wait3A] : memref<10240x128xf32, #tpu.memory_space<vmem_shared>> -> memref<640x128xf32, #tpu.memory_space<vmem_shared>>
          %dma_wait3A_49 = arith.constant 0 : i32
          %dma_wait3A_50 = tpu.memref_slice %arg3[%mul3A_0, %dma_wait3A_49] : memref<10000x128xf32, #tpu.memory_space<hbm>> -> memref<640x128xf32, #tpu.memory_space<hbm>>
          tpu.wait_dma2 semaphore(%run_scoped3A : memref<!tpu.dma_semaphore, #tpu.memory_space<semaphore_mem>>) src(%dma_wait3A_50 : memref<640x128xf32, #tpu.memory_space<hbm>>) dst(%dma_wait3A_48 : memref<640x128xf32, #tpu.memory_space<vmem_shared>>)
          tpu.yield
        }) : () -> ()
      } else {
      }
      %eq3A_40 = arith.constant 15 : i32
      %eq3A_41 = arith.cmpi eq, %arg1, %eq3A_40 : i32
      %convert_element_type3A_42 = arith.extui %eq3A_41 : i1 to i32
      %cond3A_43 = arith.constant 0 : i32
      %cond3A_44 = arith.cmpi ne, %convert_element_type3A_42, %cond3A_43 : i32
      scf.if %cond3A_44 {
        "tpu.region"() ({
          %run_scoped3A = tpu.sem_alloc : memref<!tpu.dma_semaphore, #tpu.memory_space<semaphore_mem>>
          %dma_start3A = arith.constant 0 : i32
          %dma_start3A_45 = tpu.memref_slice %arg10[%mul3A_0, %dma_start3A] : memref<10240x128xf32, #tpu.memory_space<vmem_shared>> -> memref<400x128xf32, #tpu.memory_space<vmem_shared>>
          %dma_start3A_46 = arith.constant 0 : i32
          %dma_start3A_47 = tpu.memref_slice %arg3[%mul3A_0, %dma_start3A_46] : memref<10000x128xf32, #tpu.memory_space<hbm>> -> memref<400x128xf32, #tpu.memory_space<hbm>>
          tpu.enqueue_dma source(%dma_start3A_47 : memref<400x128xf32, #tpu.memory_space<hbm>>) target(%dma_start3A_45 : memref<400x128xf32, #tpu.memory_space<vmem_shared>>) target_semaphore(%run_scoped3A : memref<!tpu.dma_semaphore, #tpu.memory_space<semaphore_mem>>)
          %dma_wait3A = arith.constant 0 : i32
          %dma_wait3A_48 = tpu.memref_slice %arg10[%mul3A_0, %dma_wait3A] : memref<10240x128xf32, #tpu.memory_space<vmem_shared>> -> memref<400x128xf32, #tpu.memory_space<vmem_shared>>
          %dma_wait3A_49 = arith.constant 0 : i32
          %dma_wait3A_50 = tpu.memref_slice %arg3[%mul3A_0, %dma_wait3A_49] : memref<10000x128xf32, #tpu.memory_space<hbm>> -> memref<400x128xf32, #tpu.memory_space<hbm>>
          tpu.wait_dma2 semaphore(%run_scoped3A : memref<!tpu.dma_semaphore, #tpu.memory_space<semaphore_mem>>) src(%dma_wait3A_50 : memref<400x128xf32, #tpu.memory_space<hbm>>) dst(%dma_wait3A_48 : memref<400x128xf32, #tpu.memory_space<vmem_shared>>)
          tpu.yield
        }) : () -> ()
      } else {
      }
    } else {
    }
    %eq3A_7 = arith.constant 0 : i32
    %eq3A_8 = arith.cmpi eq, %arg0, %eq3A_7 : i32
    %convert_element_type3A_9 = arith.extui %eq3A_8 : i1 to i32
    %cond3A_10 = arith.constant 0 : i32
    %cond3A_11 = arith.cmpi ne, %convert_element_type3A_9, %cond3A_10 : i32
    scf.if %cond3A_11 {
      %mul3A_36 = arith.constant 104 : i32
      %mul3A_37 = arith.muli %arg1, %mul3A_36 : i32
      "tpu.region"() ({
        %run_scoped3A = tpu.sem_alloc : memref<!tpu.dma_semaphore, #tpu.memory_space<semaphore_mem>>
        %dma_start3A = arith.constant 0 : i32
        %dma_start3A_38 = arith.constant 0 : i32
        %dma_start3A_39 = tpu.memref_slice %arg7[%dma_start3A, %dma_start3A_38] : memref<104x128xi32, #tpu.memory_space<vmem>> -> memref<104x128xi32, #tpu.memory_space<vmem>>
        %dma_start3A_40 = arith.constant 0 : i32
        %dma_start3A_41 = tpu.memref_slice %arg4[%mul3A_37, %dma_start3A_40] : memref<2560x128xi32, #tpu.memory_space<hbm>> -> memref<104x128xi32, #tpu.memory_space<hbm>>
        %dma_start3A_42 = arith.constant 0 : i32
        %dma_start3A_43 = arith.constant 0 : i32
        %dma_start3A_44 = tpu.memref_slice %arg7[%dma_start3A_42, %dma_start3A_43] : memref<104x128xi32, #tpu.memory_space<vmem>> -> memref<104x128xi32, #tpu.memory_space<vmem>>
        %dma_start3A_45 = arith.constant 0 : i32
        %dma_start3A_46 = tpu.memref_slice %arg4[%mul3A_37, %dma_start3A_45] : memref<2560x128xi32, #tpu.memory_space<hbm>> -> memref<104x128xi32, #tpu.memory_space<hbm>>
        tpu.enqueue_dma source(%dma_start3A_46 : memref<104x128xi32, #tpu.memory_space<hbm>>) target(%dma_start3A_44 : memref<104x128xi32, #tpu.memory_space<vmem>>) target_semaphore(%run_scoped3A : memref<!tpu.dma_semaphore, #tpu.memory_space<semaphore_mem>>)
        %dma_wait3A = arith.constant 0 : i32
        %dma_wait3A_47 = arith.constant 0 : i32
        %dma_wait3A_48 = tpu.memref_slice %arg7[%dma_wait3A, %dma_wait3A_47] : memref<104x128xi32, #tpu.memory_space<vmem>> -> memref<104x128xi32, #tpu.memory_space<vmem>>
        %dma_wait3A_49 = arith.constant 0 : i32
        %dma_wait3A_50 = tpu.memref_slice %arg4[%mul3A_37, %dma_wait3A_49] : memref<2560x128xi32, #tpu.memory_space<hbm>> -> memref<104x128xi32, #tpu.memory_space<hbm>>
        %dma_wait3A_51 = arith.constant 0 : i32
        %dma_wait3A_52 = arith.constant 0 : i32
        %dma_wait3A_53 = tpu.memref_slice %arg7[%dma_wait3A_51, %dma_wait3A_52] : memref<104x128xi32, #tpu.memory_space<vmem>> -> memref<104x128xi32, #tpu.memory_space<vmem>>
        %dma_wait3A_54 = arith.constant 0 : i32
        %dma_wait3A_55 = tpu.memref_slice %arg4[%mul3A_37, %dma_wait3A_54] : memref<2560x128xi32, #tpu.memory_space<hbm>> -> memref<104x128xi32, #tpu.memory_space<hbm>>
        tpu.wait_dma2 semaphore(%run_scoped3A : memref<!tpu.dma_semaphore, #tpu.memory_space<semaphore_mem>>) src(%dma_wait3A_55 : memref<104x128xi32, #tpu.memory_space<hbm>>) dst(%dma_wait3A_53 : memref<104x128xi32, #tpu.memory_space<vmem>>)
        tpu.yield
      }) : () -> ()
      "tpu.region"() ({
        %run_scoped3A = tpu.sem_alloc : memref<!tpu.dma_semaphore, #tpu.memory_space<semaphore_mem>>
        %dma_start3A = arith.constant 0 : i32
        %dma_start3A_38 = arith.constant 0 : i32
        %dma_start3A_39 = tpu.memref_slice %arg8[%dma_start3A, %dma_start3A_38] : memref<104x128xi32, #tpu.memory_space<vmem>> -> memref<104x128xi32, #tpu.memory_space<vmem>>
        %dma_start3A_40 = arith.constant 0 : i32
        %dma_start3A_41 = tpu.memref_slice %arg5[%mul3A_37, %dma_start3A_40] : memref<2560x128xi32, #tpu.memory_space<hbm>> -> memref<104x128xi32, #tpu.memory_space<hbm>>
        %dma_start3A_42 = arith.constant 0 : i32
        %dma_start3A_43 = arith.constant 0 : i32
        %dma_start3A_44 = tpu.memref_slice %arg8[%dma_start3A_42, %dma_start3A_43] : memref<104x128xi32, #tpu.memory_space<vmem>> -> memref<104x128xi32, #tpu.memory_space<vmem>>
        %dma_start3A_45 = arith.constant 0 : i32
        %dma_start3A_46 = tpu.memref_slice %arg5[%mul3A_37, %dma_start3A_45] : memref<2560x128xi32, #tpu.memory_space<hbm>> -> memref<104x128xi32, #tpu.memory_space<hbm>>
        tpu.enqueue_dma source(%dma_start3A_46 : memref<104x128xi32, #tpu.memory_space<hbm>>) target(%dma_start3A_44 : memref<104x128xi32, #tpu.memory_space<vmem>>) target_semaphore(%run_scoped3A : memref<!tpu.dma_semaphore, #tpu.memory_space<semaphore_mem>>)
        %dma_wait3A = arith.constant 0 : i32
        %dma_wait3A_47 = arith.constant 0 : i32
        %dma_wait3A_48 = tpu.memref_slice %arg8[%dma_wait3A, %dma_wait3A_47] : memref<104x128xi32, #tpu.memory_space<vmem>> -> memref<104x128xi32, #tpu.memory_space<vmem>>
        %dma_wait3A_49 = arith.constant 0 : i32
        %dma_wait3A_50 = tpu.memref_slice %arg5[%mul3A_37, %dma_wait3A_49] : memref<2560x128xi32, #tpu.memory_space<hbm>> -> memref<104x128xi32, #tpu.memory_space<hbm>>
        %dma_wait3A_51 = arith.constant 0 : i32
        %dma_wait3A_52 = arith.constant 0 : i32
        %dma_wait3A_53 = tpu.memref_slice %arg8[%dma_wait3A_51, %dma_wait3A_52] : memref<104x128xi32, #tpu.memory_space<vmem>> -> memref<104x128xi32, #tpu.memory_space<vmem>>
        %dma_wait3A_54 = arith.constant 0 : i32
        %dma_wait3A_55 = tpu.memref_slice %arg5[%mul3A_37, %dma_wait3A_54] : memref<2560x128xi32, #tpu.memory_space<hbm>> -> memref<104x128xi32, #tpu.memory_space<hbm>>
        tpu.wait_dma2 semaphore(%run_scoped3A : memref<!tpu.dma_semaphore, #tpu.memory_space<semaphore_mem>>) src(%dma_wait3A_55 : memref<104x128xi32, #tpu.memory_space<hbm>>) dst(%dma_wait3A_53 : memref<104x128xi32, #tpu.memory_space<vmem>>)
        tpu.yield
      }) : () -> ()
    } else {
    }
    %ne3A_12 = arith.constant 0 : i32
    %ne3A_13 = arith.cmpi ne, %arg0, %ne3A_12 : i32
    %convert_element_type3A_14 = arith.extui %ne3A_13 : i1 to i32
    %cond3A_15 = arith.constant 0 : i32
    %cond3A_16 = arith.cmpi ne, %convert_element_type3A_14, %cond3A_15 : i32
    scf.if %cond3A_16 {
      %mul3A_36 = arith.constant 56 : i32
      %mul3A_37 = arith.muli %arg1, %mul3A_36 : i32
      %add3A_38 = arith.constant 1664 : i32
      %add3A_39 = arith.addi %add3A_38, %mul3A_37 : i32
      "tpu.region"() ({
        %run_scoped3A = tpu.sem_alloc : memref<!tpu.dma_semaphore, #tpu.memory_space<semaphore_mem>>
        %dma_start3A = arith.constant 0 : i32
        %dma_start3A_40 = arith.constant 0 : i32
        %dma_start3A_41 = tpu.memref_slice %arg7[%dma_start3A, %dma_start3A_40] : memref<104x128xi32, #tpu.memory_space<vmem>> -> memref<56x128xi32, #tpu.memory_space<vmem>>
        %dma_start3A_42 = arith.constant 0 : i32
        %dma_start3A_43 = tpu.memref_slice %arg4[%add3A_39, %dma_start3A_42] : memref<2560x128xi32, #tpu.memory_space<hbm>> -> memref<56x128xi32, #tpu.memory_space<hbm>>
        %dma_start3A_44 = arith.constant 0 : i32
        %dma_start3A_45 = arith.constant 0 : i32
        %dma_start3A_46 = tpu.memref_slice %arg7[%dma_start3A_44, %dma_start3A_45] : memref<104x128xi32, #tpu.memory_space<vmem>> -> memref<56x128xi32, #tpu.memory_space<vmem>>
        %dma_start3A_47 = arith.constant 0 : i32
        %dma_start3A_48 = tpu.memref_slice %arg4[%add3A_39, %dma_start3A_47] : memref<2560x128xi32, #tpu.memory_space<hbm>> -> memref<56x128xi32, #tpu.memory_space<hbm>>
        tpu.enqueue_dma source(%dma_start3A_48 : memref<56x128xi32, #tpu.memory_space<hbm>>) target(%dma_start3A_46 : memref<56x128xi32, #tpu.memory_space<vmem>>) target_semaphore(%run_scoped3A : memref<!tpu.dma_semaphore, #tpu.memory_space<semaphore_mem>>)
        %dma_wait3A = arith.constant 0 : i32
        %dma_wait3A_49 = arith.constant 0 : i32
        %dma_wait3A_50 = tpu.memref_slice %arg7[%dma_wait3A, %dma_wait3A_49] : memref<104x128xi32, #tpu.memory_space<vmem>> -> memref<56x128xi32, #tpu.memory_space<vmem>>
        %dma_wait3A_51 = arith.constant 0 : i32
        %dma_wait3A_52 = tpu.memref_slice %arg4[%add3A_39, %dma_wait3A_51] : memref<2560x128xi32, #tpu.memory_space<hbm>> -> memref<56x128xi32, #tpu.memory_space<hbm>>
        %dma_wait3A_53 = arith.constant 0 : i32
        %dma_wait3A_54 = arith.constant 0 : i32
        %dma_wait3A_55 = tpu.memref_slice %arg7[%dma_wait3A_53, %dma_wait3A_54] : memref<104x128xi32, #tpu.memory_space<vmem>> -> memref<56x128xi32, #tpu.memory_space<vmem>>
        %dma_wait3A_56 = arith.constant 0 : i32
        %dma_wait3A_57 = tpu.memref_slice %arg4[%add3A_39, %dma_wait3A_56] : memref<2560x128xi32, #tpu.memory_space<hbm>> -> memref<56x128xi32, #tpu.memory_space<hbm>>
        tpu.wait_dma2 semaphore(%run_scoped3A : memref<!tpu.dma_semaphore, #tpu.memory_space<semaphore_mem>>) src(%dma_wait3A_57 : memref<56x128xi32, #tpu.memory_space<hbm>>) dst(%dma_wait3A_55 : memref<56x128xi32, #tpu.memory_space<vmem>>)
        tpu.yield
      }) : () -> ()
      "tpu.region"() ({
        %run_scoped3A = tpu.sem_alloc : memref<!tpu.dma_semaphore, #tpu.memory_space<semaphore_mem>>
        %dma_start3A = arith.constant 0 : i32
        %dma_start3A_40 = arith.constant 0 : i32
        %dma_start3A_41 = tpu.memref_slice %arg8[%dma_start3A, %dma_start3A_40] : memref<104x128xi32, #tpu.memory_space<vmem>> -> memref<56x128xi32, #tpu.memory_space<vmem>>
        %dma_start3A_42 = arith.constant 0 : i32
        %dma_start3A_43 = tpu.memref_slice %arg5[%add3A_39, %dma_start3A_42] : memref<2560x128xi32, #tpu.memory_space<hbm>> -> memref<56x128xi32, #tpu.memory_space<hbm>>
        %dma_start3A_44 = arith.constant 0 : i32
        %dma_start3A_45 = arith.constant 0 : i32
        %dma_start3A_46 = tpu.memref_slice %arg8[%dma_start3A_44, %dma_start3A_45] : memref<104x128xi32, #tpu.memory_space<vmem>> -> memref<56x128xi32, #tpu.memory_space<vmem>>
        %dma_start3A_47 = arith.constant 0 : i32
        %dma_start3A_48 = tpu.memref_slice %arg5[%add3A_39, %dma_start3A_47] : memref<2560x128xi32, #tpu.memory_space<hbm>> -> memref<56x128xi32, #tpu.memory_space<hbm>>
        tpu.enqueue_dma source(%dma_start3A_48 : memref<56x128xi32, #tpu.memory_space<hbm>>) target(%dma_start3A_46 : memref<56x128xi32, #tpu.memory_space<vmem>>) target_semaphore(%run_scoped3A : memref<!tpu.dma_semaphore, #tpu.memory_space<semaphore_mem>>)
        %dma_wait3A = arith.constant 0 : i32
        %dma_wait3A_49 = arith.constant 0 : i32
        %dma_wait3A_50 = tpu.memref_slice %arg8[%dma_wait3A, %dma_wait3A_49] : memref<104x128xi32, #tpu.memory_space<vmem>> -> memref<56x128xi32, #tpu.memory_space<vmem>>
        %dma_wait3A_51 = arith.constant 0 : i32
        %dma_wait3A_52 = tpu.memref_slice %arg5[%add3A_39, %dma_wait3A_51] : memref<2560x128xi32, #tpu.memory_space<hbm>> -> memref<56x128xi32, #tpu.memory_space<hbm>>
        %dma_wait3A_53 = arith.constant 0 : i32
        %dma_wait3A_54 = arith.constant 0 : i32
        %dma_wait3A_55 = tpu.memref_slice %arg8[%dma_wait3A_53, %dma_wait3A_54] : memref<104x128xi32, #tpu.memory_space<vmem>> -> memref<56x128xi32, #tpu.memory_space<vmem>>
        %dma_wait3A_56 = arith.constant 0 : i32
        %dma_wait3A_57 = tpu.memref_slice %arg5[%add3A_39, %dma_wait3A_56] : memref<2560x128xi32, #tpu.memory_space<hbm>> -> memref<56x128xi32, #tpu.memory_space<hbm>>
        tpu.wait_dma2 semaphore(%run_scoped3A : memref<!tpu.dma_semaphore, #tpu.memory_space<semaphore_mem>>) src(%dma_wait3A_57 : memref<56x128xi32, #tpu.memory_space<hbm>>) dst(%dma_wait3A_55 : memref<56x128xi32, #tpu.memory_space<vmem>>)
        tpu.yield
      }) : () -> ()
    } else {
    }
    %barrier3A = arith.constant 0 : index
    tpu.barrier barrier_id(%barrier3A)
    %eq3A_17 = arith.constant 0 : i32
    %eq3A_18 = arith.cmpi eq, %arg0, %eq3A_17 : i32
    %jit3A = arith.constant 104 : i32
    %jit3A_19 = arith.constant 56 : i32
    %select_n3A = arith.select %eq3A_18, %jit3A, %jit3A_19 : i32
    %sub3A = arith.constant 0 : i32
    %sub3A_20 = arith.subi %select_n3A, %sub3A : i32
    %sub3A_21 = arith.constant 1 : i32
    %sub3A_22 = arith.constant 1 : i32
    %sub3A_23 = arith.subi %sub3A_21, %sub3A_22 : i32
    %add3A = arith.addi %sub3A_20, %sub3A_23 : i32
    %div3A = arith.constant 1 : i32
    %div3A_24 = arith.divsi %add3A, %div3A : i32
    %while3A = arith.constant 1 : i32
    %while3A_25 = arith.constant 0 : i32
    %while3A_26 = arith.constant 0 : i32
    %while3A_27 = arith.subi %div3A_24, %while3A_26 : i32
    %while3A_28 = arith.addi %while3A_26, %while3A_27 : i32
    %while3A_29 = arith.constant 1 : i32
    %while3A_30 = arith.divsi %while3A_27, %while3A_29 : i32
    %while3A_31 = arith.muli %while3A_30, %while3A_29 : i32
    %while3A_32 = arith.addi %while3A_26, %while3A_31 : i32
    %while3A_33 = arith.constant 1 : i32
    scf.for %while3A_36 = %while3A_26 to %while3A_32 step %while3A_33  : i32 {
      %mul3A_37 = arith.muli %while3A_36, %while3A : i32
      %add3A_38 = arith.addi %while3A_25, %mul3A_37 : i32
      "tpu.region"() ({
        %run_scoped3A = tpu.sem_alloc : memref<!tpu.dma_semaphore, #tpu.memory_space<semaphore_mem>>
        %dma_start3A = arith.constant 0 : i32
        %dma_start3A_39 = tpu.memref_slice %arg7[%add3A_38, %dma_start3A] : memref<104x128xi32, #tpu.memory_space<vmem>> -> memref<1x128xi32, #tpu.memory_space<vmem>>
        %dma_start3A_40 = tpu.memref_squeeze %dma_start3A_39 : memref<1x128xi32, #tpu.memory_space<vmem>> -> memref<128xi32, #tpu.memory_space<vmem>>
        %dma_start3A_41 = arith.constant 0 : i32
        %dma_start3A_42 = arith.constant 0 : i32
        %dma_start3A_43 = tpu.memref_slice %arg2[%dma_start3A_41, %dma_start3A_42] : memref<10000x128xf32, #tpu.memory_space<hbm>> -> memref<10000x128xf32, #tpu.memory_space<hbm>>
        tpu.enqueue_indirect_dma source(%dma_start3A_43 : memref<10000x128xf32, #tpu.memory_space<hbm>>) target(%arg9 : memref<128x128xf32, #tpu.memory_space<vmem>>) offsets(%dma_start3A_40 : memref<128xi32, #tpu.memory_space<vmem>>) semaphore(%run_scoped3A : memref<!tpu.dma_semaphore, #tpu.memory_space<semaphore_mem>>)
        %dma_wait3A = arith.constant 0 : i32
        %dma_wait3A_44 = tpu.memref_slice %arg7[%add3A_38, %dma_wait3A] : memref<104x128xi32, #tpu.memory_space<vmem>> -> memref<1x128xi32, #tpu.memory_space<vmem>>
        %dma_wait3A_45 = tpu.memref_squeeze %dma_wait3A_44 : memref<1x128xi32, #tpu.memory_space<vmem>> -> memref<128xi32, #tpu.memory_space<vmem>>
        %dma_wait3A_46 = arith.constant 0 : i32
        %dma_wait3A_47 = arith.constant 0 : i32
        %dma_wait3A_48 = tpu.memref_slice %arg2[%dma_wait3A_46, %dma_wait3A_47] : memref<10000x128xf32, #tpu.memory_space<hbm>> -> memref<10000x128xf32, #tpu.memory_space<hbm>>
        tpu.wait_indirect_dma semaphore(%run_scoped3A : memref<!tpu.dma_semaphore, #tpu.memory_space<semaphore_mem>>) src(%dma_wait3A_48 : memref<10000x128xf32, #tpu.memory_space<hbm>>) dst(%arg9 : memref<128x128xf32, #tpu.memory_space<vmem>>)
        tpu.yield
      }) : () -> ()
      "tpu.region"() ({
        %run_scoped3A = tpu.sem_alloc : memref<!tpu.dma_semaphore, #tpu.memory_space<semaphore_mem>>
        %dma_start3A = arith.constant 0 : i32
        %dma_start3A_39 = tpu.memref_slice %arg8[%add3A_38, %dma_start3A] : memref<104x128xi32, #tpu.memory_space<vmem>> -> memref<1x128xi32, #tpu.memory_space<vmem>>
        %dma_start3A_40 = tpu.memref_squeeze %dma_start3A_39 : memref<1x128xi32, #tpu.memory_space<vmem>> -> memref<128xi32, #tpu.memory_space<vmem>>
        %dma_start3A_41 = arith.constant 0 : i32
        %dma_start3A_42 = arith.constant 0 : i32
        %dma_start3A_43 = tpu.memref_slice %arg10[%dma_start3A_41, %dma_start3A_42] : memref<10240x128xf32, #tpu.memory_space<vmem_shared>> -> memref<10240x128xf32, #tpu.memory_space<vmem_shared>>
        tpu.enqueue_indirect_dma source(%arg9 : memref<128x128xf32, #tpu.memory_space<vmem>>) target(%dma_start3A_43 : memref<10240x128xf32, #tpu.memory_space<vmem_shared>>) offsets(%dma_start3A_40 : memref<128xi32, #tpu.memory_space<vmem>>) semaphore(%run_scoped3A : memref<!tpu.dma_semaphore, #tpu.memory_space<semaphore_mem>>) {add = true}
        %dma_wait3A = arith.constant 0 : i32
        %dma_wait3A_44 = tpu.memref_slice %arg8[%add3A_38, %dma_wait3A] : memref<104x128xi32, #tpu.memory_space<vmem>> -> memref<1x128xi32, #tpu.memory_space<vmem>>
        %dma_wait3A_45 = tpu.memref_squeeze %dma_wait3A_44 : memref<1x128xi32, #tpu.memory_space<vmem>> -> memref<128xi32, #tpu.memory_space<vmem>>
        %dma_wait3A_46 = arith.constant 0 : i32
        %dma_wait3A_47 = arith.constant 0 : i32
        %dma_wait3A_48 = tpu.memref_slice %arg10[%dma_wait3A_46, %dma_wait3A_47] : memref<10240x128xf32, #tpu.memory_space<vmem_shared>> -> memref<10240x128xf32, #tpu.memory_space<vmem_shared>>
        tpu.wait_indirect_dma semaphore(%run_scoped3A : memref<!tpu.dma_semaphore, #tpu.memory_space<semaphore_mem>>) src(%arg9 : memref<128x128xf32, #tpu.memory_space<vmem>>) dst(%dma_wait3A_48 : memref<10240x128xf32, #tpu.memory_space<vmem_shared>>)
        tpu.yield
      }) : () -> ()
    }
    %while3A_34 = arith.constant 1 : i32
    scf.for %while3A_36 = %while3A_32 to %while3A_28 step %while3A_34  : i32 {
      %mul3A_37 = arith.muli %while3A_36, %while3A : i32
      %add3A_38 = arith.addi %while3A_25, %mul3A_37 : i32
      "tpu.region"() ({
        %run_scoped3A = tpu.sem_alloc : memref<!tpu.dma_semaphore, #tpu.memory_space<semaphore_mem>>
        %dma_start3A = arith.constant 0 : i32
        %dma_start3A_39 = tpu.memref_slice %arg7[%add3A_38, %dma_start3A] : memref<104x128xi32, #tpu.memory_space<vmem>> -> memref<1x128xi32, #tpu.memory_space<vmem>>
        %dma_start3A_40 = tpu.memref_squeeze %dma_start3A_39 : memref<1x128xi32, #tpu.memory_space<vmem>> -> memref<128xi32, #tpu.memory_space<vmem>>
        %dma_start3A_41 = arith.constant 0 : i32
        %dma_start3A_42 = arith.constant 0 : i32
        %dma_start3A_43 = tpu.memref_slice %arg2[%dma_start3A_41, %dma_start3A_42] : memref<10000x128xf32, #tpu.memory_space<hbm>> -> memref<10000x128xf32, #tpu.memory_space<hbm>>
        tpu.enqueue_indirect_dma source(%dma_start3A_43 : memref<10000x128xf32, #tpu.memory_space<hbm>>) target(%arg9 : memref<128x128xf32, #tpu.memory_space<vmem>>) offsets(%dma_start3A_40 : memref<128xi32, #tpu.memory_space<vmem>>) semaphore(%run_scoped3A : memref<!tpu.dma_semaphore, #tpu.memory_space<semaphore_mem>>)
        %dma_wait3A = arith.constant 0 : i32
        %dma_wait3A_44 = tpu.memref_slice %arg7[%add3A_38, %dma_wait3A] : memref<104x128xi32, #tpu.memory_space<vmem>> -> memref<1x128xi32, #tpu.memory_space<vmem>>
        %dma_wait3A_45 = tpu.memref_squeeze %dma_wait3A_44 : memref<1x128xi32, #tpu.memory_space<vmem>> -> memref<128xi32, #tpu.memory_space<vmem>>
        %dma_wait3A_46 = arith.constant 0 : i32
        %dma_wait3A_47 = arith.constant 0 : i32
        %dma_wait3A_48 = tpu.memref_slice %arg2[%dma_wait3A_46, %dma_wait3A_47] : memref<10000x128xf32, #tpu.memory_space<hbm>> -> memref<10000x128xf32, #tpu.memory_space<hbm>>
        tpu.wait_indirect_dma semaphore(%run_scoped3A : memref<!tpu.dma_semaphore, #tpu.memory_space<semaphore_mem>>) src(%dma_wait3A_48 : memref<10000x128xf32, #tpu.memory_space<hbm>>) dst(%arg9 : memref<128x128xf32, #tpu.memory_space<vmem>>)
        tpu.yield
      }) : () -> ()
      "tpu.region"() ({
        %run_scoped3A = tpu.sem_alloc : memref<!tpu.dma_semaphore, #tpu.memory_space<semaphore_mem>>
        %dma_start3A = arith.constant 0 : i32
        %dma_start3A_39 = tpu.memref_slice %arg8[%add3A_38, %dma_start3A] : memref<104x128xi32, #tpu.memory_space<vmem>> -> memref<1x128xi32, #tpu.memory_space<vmem>>
        %dma_start3A_40 = tpu.memref_squeeze %dma_start3A_39 : memref<1x128xi32, #tpu.memory_space<vmem>> -> memref<128xi32, #tpu.memory_space<vmem>>
        %dma_start3A_41 = arith.constant 0 : i32
        %dma_start3A_42 = arith.constant 0 : i32
        %dma_start3A_43 = tpu.memref_slice %arg10[%dma_start3A_41, %dma_start3A_42] : memref<10240x128xf32, #tpu.memory_space<vmem_shared>> -> memref<10240x128xf32, #tpu.memory_space<vmem_shared>>
        tpu.enqueue_indirect_dma source(%arg9 : memref<128x128xf32, #tpu.memory_space<vmem>>) target(%dma_start3A_43 : memref<10240x128xf32, #tpu.memory_space<vmem_shared>>) offsets(%dma_start3A_40 : memref<128xi32, #tpu.memory_space<vmem>>) semaphore(%run_scoped3A : memref<!tpu.dma_semaphore, #tpu.memory_space<semaphore_mem>>) {add = true}
        %dma_wait3A = arith.constant 0 : i32
        %dma_wait3A_44 = tpu.memref_slice %arg8[%add3A_38, %dma_wait3A] : memref<104x128xi32, #tpu.memory_space<vmem>> -> memref<1x128xi32, #tpu.memory_space<vmem>>
        %dma_wait3A_45 = tpu.memref_squeeze %dma_wait3A_44 : memref<1x128xi32, #tpu.memory_space<vmem>> -> memref<128xi32, #tpu.memory_space<vmem>>
        %dma_wait3A_46 = arith.constant 0 : i32
        %dma_wait3A_47 = arith.constant 0 : i32
        %dma_wait3A_48 = tpu.memref_slice %arg10[%dma_wait3A_46, %dma_wait3A_47] : memref<10240x128xf32, #tpu.memory_space<vmem_shared>> -> memref<10240x128xf32, #tpu.memory_space<vmem_shared>>
        tpu.wait_indirect_dma semaphore(%run_scoped3A : memref<!tpu.dma_semaphore, #tpu.memory_space<semaphore_mem>>) src(%arg9 : memref<128x128xf32, #tpu.memory_space<vmem>>) dst(%dma_wait3A_48 : memref<10240x128xf32, #tpu.memory_space<vmem_shared>>)
        tpu.yield
      }) : () -> ()
    }
    %barrier3A_35 = arith.constant 0 : index
    tpu.barrier barrier_id(%barrier3A_35)
    "tpu.region"() ({
      %run_scoped3A = tpu.sem_alloc : memref<!tpu.dma_semaphore, #tpu.memory_space<semaphore_mem>>
      %dma_start3A = arith.constant 0 : i32
      %dma_start3A_36 = tpu.memref_slice %arg6[%arg0, %mul3A_0, %dma_start3A] : memref<2x10240x128xf32, #tpu.memory_space<hbm>> -> memref<1x640x128xf32, #tpu.memory_space<hbm>>
      %dma_start3A_37 = tpu.memref_squeeze %dma_start3A_36 : memref<1x640x128xf32, #tpu.memory_space<hbm>> -> memref<640x128xf32, #tpu.memory_space<hbm>>
      %dma_start3A_38 = arith.constant 0 : i32
      %dma_start3A_39 = tpu.memref_slice %arg10[%mul3A_0, %dma_start3A_38] : memref<10240x128xf32, #tpu.memory_space<vmem_shared>> -> memref<640x128xf32, #tpu.memory_space<vmem_shared>>
      tpu.enqueue_dma source(%dma_start3A_39 : memref<640x128xf32, #tpu.memory_space<vmem_shared>>) target(%dma_start3A_37 : memref<640x128xf32, #tpu.memory_space<hbm>>) target_semaphore(%run_scoped3A : memref<!tpu.dma_semaphore, #tpu.memory_space<semaphore_mem>>)
      %dma_wait3A = arith.constant 0 : i32
      %dma_wait3A_40 = tpu.memref_slice %arg6[%arg0, %mul3A_0, %dma_wait3A] : memref<2x10240x128xf32, #tpu.memory_space<hbm>> -> memref<1x640x128xf32, #tpu.memory_space<hbm>>
      %dma_wait3A_41 = tpu.memref_squeeze %dma_wait3A_40 : memref<1x640x128xf32, #tpu.memory_space<hbm>> -> memref<640x128xf32, #tpu.memory_space<hbm>>
      %dma_wait3A_42 = arith.constant 0 : i32
      %dma_wait3A_43 = tpu.memref_slice %arg10[%mul3A_0, %dma_wait3A_42] : memref<10240x128xf32, #tpu.memory_space<vmem_shared>> -> memref<640x128xf32, #tpu.memory_space<vmem_shared>>
      tpu.wait_dma2 semaphore(%run_scoped3A : memref<!tpu.dma_semaphore, #tpu.memory_space<semaphore_mem>>) src(%dma_wait3A_43 : memref<640x128xf32, #tpu.memory_space<vmem_shared>>) dst(%dma_wait3A_41 : memref<640x128xf32, #tpu.memory_space<hbm>>)
      tpu.yield
    }) : () -> ()
    return
  }
}

module attributes {stable_mosaic.version = 14 : i64} {
  func.func @m1_body(%arg0: i32, %arg1: memref<1000x128xf32, #tpu.memory_space<vmem>>, %arg2: memref<128x128xf32, #tpu.memory_space<vmem>>, %arg3: memref<1000x1xf32, #tpu.memory_space<vmem>>, %arg4: memref<1000x128xf32, #tpu.memory_space<vmem>>) attributes {dimension_semantics = [#tpu.dimension_semantics<arbitrary>], iteration_bounds = array<i64: 10>, scalar_prefetch = 0 : i64, scratch_operands = 0 : i64, tpu.core_type = #tpu.core_type<tc>, window_params = [{transform_indices = @transform_0, window_bounds = array<i64: 1000, 128>}, {pipeline_mode = #tpu.pipeline_mode<synchronous>, transform_indices = @transform_1, window_bounds = array<i64: 128, 128>}, {transform_indices = @transform_2, window_bounds = array<i64: 1000, 1>}, {transform_indices = @transform_3, window_bounds = array<i64: 1000, 128>}]} {
    %get3A = arith.constant 0 : index
    %get3A_0 = arith.constant 0 : index
    %get3A_1 = vector.load %arg1[%get3A, %get3A_0] : memref<1000x128xf32, #tpu.memory_space<vmem>>, vector<1000x128xf32>
    %get3A_2 = arith.constant 0 : index
    %get3A_3 = arith.constant 0 : index
    %get3A_4 = vector.load %arg2[%get3A_2, %get3A_3] : memref<128x128xf32, #tpu.memory_space<vmem>>, vector<128x128xf32>
    %dot_general3A = arith.constant dense<0.000000e+00> : vector<1000x128xf32>
    %dot_general3A_5 = tpu.matmul %get3A_1, %get3A_4, %dot_general3A {dimension_numbers = #tpu.dot_dimension_numbers<[1], [0], [0], [1], [0, 0, 1, 1], [], []>, precision = #tpu.contract_precision<fp32>, transpose_lhs_hint = false} : vector<1000x128xf32>, vector<128x128xf32>, vector<1000x128xf32> -> vector<1000x128xf32>
    %get3A_6 = arith.constant 0 : index
    %get3A_7 = arith.constant 0 : index
    %get3A_8 = vector.load %arg3[%get3A_6, %get3A_7] : memref<1000x1xf32, #tpu.memory_space<vmem>>, vector<1000x1xf32>
    %mul3A = vector.broadcast %get3A_8 : vector<1000x1xf32> to vector<1000x128xf32>
    %mul3A_9 = arith.mulf %dot_general3A_5, %mul3A : vector<1000x128xf32>
    %swap3A = arith.constant 0 : index
    %swap3A_10 = arith.constant 0 : index
    %swap3A_11 = vector.load %arg4[%swap3A, %swap3A_10] : memref<1000x128xf32, #tpu.memory_space<vmem>>, vector<1000x128xf32>
    tpu.vector_store %arg4[%swap3A, %swap3A_10], %mul3A_9 {strides = array<i32>} : memref<1000x128xf32, #tpu.memory_space<vmem>>, vector<1000x128xf32>,
    return
  }
  func.func @transform_0(%arg0: i32) -> (i32, i32) {
    %c0_i32 = arith.constant 0 : i32
    %c0_i32_0 = arith.constant 0 : i32
    return %arg0, %c0_i32 : i32, i32
  }
  func.func @transform_1(%arg0: i32) -> (i32, i32) {
    %c0_i32 = arith.constant 0 : i32
    %c0_i32_0 = arith.constant 0 : i32
    %c0_i32_1 = arith.constant 0 : i32
    return %c0_i32, %c0_i32_0 : i32, i32
  }
  func.func @transform_2(%arg0: i32) -> (i32, i32) {
    %c0_i32 = arith.constant 0 : i32
    %c0_i32_0 = arith.constant 0 : i32
    return %arg0, %c0_i32 : i32, i32
  }
  func.func @transform_3(%arg0: i32) -> (i32, i32) {
    %c0_i32 = arith.constant 0 : i32
    %c0_i32_0 = arith.constant 0 : i32
    return %arg0, %c0_i32 : i32, i32
  }
}

module attributes {stable_mosaic.version = 14 : i64} {
  func.func @m2_body(%arg0: i32, %arg1: memref<2x1000x128xf32, #tpu.memory_space<vmem>>, %arg2: memref<1000x1xf32, #tpu.memory_space<vmem>>, %arg3: memref<1x128xf32, #tpu.memory_space<vmem>>, %arg4: memref<128x128xf32, #tpu.memory_space<vmem>>, %arg5: memref<1000x128xf32, #tpu.memory_space<vmem>>) attributes {dimension_semantics = [#tpu.dimension_semantics<arbitrary>], iteration_bounds = array<i64: 10>, scalar_prefetch = 0 : i64, scratch_operands = 0 : i64, tpu.core_type = #tpu.core_type<tc>, window_params = [{transform_indices = @transform_0, window_bounds = array<i64: 2, 1000, 128>}, {transform_indices = @transform_1, window_bounds = array<i64: 1000, 1>}, {pipeline_mode = #tpu.pipeline_mode<synchronous>, transform_indices = @transform_2, window_bounds = array<i64: 1, 128>}, {pipeline_mode = #tpu.pipeline_mode<synchronous>, transform_indices = @transform_3, window_bounds = array<i64: 128, 128>}, {transform_indices = @transform_4, window_bounds = array<i64: 1000, 128>}]} {
    %get3A = arith.constant 0 : index
    %get3A_0 = arith.constant 0 : index
    %get3A_1 = arith.constant 0 : index
    %get3A_2 = vector.load %arg1[%get3A, %get3A_0, %get3A_1] : memref<2x1000x128xf32, #tpu.memory_space<vmem>>, vector<1x1000x128xf32>
    %get3A_3 = vector.shape_cast %get3A_2 : vector<1x1000x128xf32> to vector<1000x128xf32>
    %get3A_4 = arith.constant 1 : index
    %get3A_5 = arith.constant 0 : index
    %get3A_6 = arith.constant 0 : index
    %get3A_7 = vector.load %arg1[%get3A_4, %get3A_5, %get3A_6] : memref<2x1000x128xf32, #tpu.memory_space<vmem>>, vector<1x1000x128xf32>
    %get3A_8 = vector.shape_cast %get3A_7 : vector<1x1000x128xf32> to vector<1000x128xf32>
    %add3A = arith.addf %get3A_3, %get3A_8 : vector<1000x128xf32>
    %get3A_9 = arith.constant 0 : index
    %get3A_10 = arith.constant 0 : index
    %get3A_11 = vector.load %arg2[%get3A_9, %get3A_10] : memref<1000x1xf32, #tpu.memory_space<vmem>>, vector<1000x1xf32>
    %mul3A = vector.broadcast %get3A_11 : vector<1000x1xf32> to vector<1000x128xf32>
    %mul3A_12 = arith.mulf %add3A, %mul3A : vector<1000x128xf32>
    %get3A_13 = arith.constant 0 : index
    %get3A_14 = arith.constant 0 : index
    %get3A_15 = vector.load %arg3[%get3A_13, %get3A_14] : memref<1x128xf32, #tpu.memory_space<vmem>>, vector<1x128xf32>
    %add3A_16 = vector.broadcast %get3A_15 : vector<1x128xf32> to vector<1000x128xf32>
    %add3A_17 = arith.addf %mul3A_12, %add3A_16 : vector<1000x128xf32>
    %max3A = arith.constant 0.000000e+00 : f32
    %max3A_18 = vector.broadcast %max3A : f32 to vector<1000x128xf32>
    %max3A_19 = arith.maximumf %add3A_17, %max3A_18 : vector<1000x128xf32>
    %get3A_20 = arith.constant 0 : index
    %get3A_21 = arith.constant 0 : index
    %get3A_22 = vector.load %arg4[%get3A_20, %get3A_21] : memref<128x128xf32, #tpu.memory_space<vmem>>, vector<128x128xf32>
    %dot_general3A = arith.constant dense<0.000000e+00> : vector<1000x128xf32>
    %dot_general3A_23 = tpu.matmul %max3A_19, %get3A_22, %dot_general3A {dimension_numbers = #tpu.dot_dimension_numbers<[1], [0], [0], [1], [0, 0, 1, 1], [], []>, precision = #tpu.contract_precision<fp32>, transpose_lhs_hint = false} : vector<1000x128xf32>, vector<128x128xf32>, vector<1000x128xf32> -> vector<1000x128xf32>
    %get3A_24 = arith.constant 0 : index
    %get3A_25 = arith.constant 0 : index
    %get3A_26 = vector.load %arg2[%get3A_24, %get3A_25] : memref<1000x1xf32, #tpu.memory_space<vmem>>, vector<1000x1xf32>
    %mul3A_27 = vector.broadcast %get3A_26 : vector<1000x1xf32> to vector<1000x128xf32>
    %mul3A_28 = arith.mulf %dot_general3A_23, %mul3A_27 : vector<1000x128xf32>
    %swap3A = arith.constant 0 : index
    %swap3A_29 = arith.constant 0 : index
    %swap3A_30 = vector.load %arg5[%swap3A, %swap3A_29] : memref<1000x128xf32, #tpu.memory_space<vmem>>, vector<1000x128xf32>
    tpu.vector_store %arg5[%swap3A, %swap3A_29], %mul3A_28 {strides = array<i32>} : memref<1000x128xf32, #tpu.memory_space<vmem>>, vector<1000x128xf32>,
    return
  }
  func.func @transform_0(%arg0: i32) -> (i32, i32, i32) {
    %c0_i32 = arith.constant 0 : i32
    %c0_i32_0 = arith.constant 0 : i32
    %c0_i32_1 = arith.constant 0 : i32
    return %c0_i32, %arg0, %c0_i32_0 : i32, i32, i32
  }
  func.func @transform_1(%arg0: i32) -> (i32, i32) {
    %c0_i32 = arith.constant 0 : i32
    %c0_i32_0 = arith.constant 0 : i32
    return %arg0, %c0_i32 : i32, i32
  }
  func.func @transform_2(%arg0: i32) -> (i32, i32) {
    %c0_i32 = arith.constant 0 : i32
    %c0_i32_0 = arith.constant 0 : i32
    %c0_i32_1 = arith.constant 0 : i32
    return %c0_i32, %c0_i32_0 : i32, i32
  }
  func.func @transform_3(%arg0: i32) -> (i32, i32) {
    %c0_i32 = arith.constant 0 : i32
    %c0_i32_0 = arith.constant 0 : i32
    %c0_i32_1 = arith.constant 0 : i32
    return %c0_i32, %c0_i32_0 : i32, i32
  }
  func.func @transform_4(%arg0: i32) -> (i32, i32) {
    %c0_i32 = arith.constant 0 : i32
    %c0_i32_0 = arith.constant 0 : i32
    return %arg0, %c0_i32 : i32, i32
  }
}

module attributes {stable_mosaic.version = 14 : i64} {
  func.func @ep_body(%arg0: i32, %arg1: memref<2x1000x128xf32, #tpu.memory_space<vmem>>, %arg2: memref<1000x1xf32, #tpu.memory_space<vmem>>, %arg3: memref<1x128xf32, #tpu.memory_space<vmem>>, %arg4: memref<1000x128xf32, #tpu.memory_space<vmem>>) attributes {dimension_semantics = [#tpu.dimension_semantics<arbitrary>], iteration_bounds = array<i64: 10>, scalar_prefetch = 0 : i64, scratch_operands = 0 : i64, tpu.core_type = #tpu.core_type<tc>, window_params = [{transform_indices = @transform_0, window_bounds = array<i64: 2, 1000, 128>}, {transform_indices = @transform_1, window_bounds = array<i64: 1000, 1>}, {pipeline_mode = #tpu.pipeline_mode<synchronous>, transform_indices = @transform_2, window_bounds = array<i64: 1, 128>}, {transform_indices = @transform_3, window_bounds = array<i64: 1000, 128>}]} {
    %get3A = arith.constant 0 : index
    %get3A_0 = arith.constant 0 : index
    %get3A_1 = arith.constant 0 : index
    %get3A_2 = vector.load %arg1[%get3A, %get3A_0, %get3A_1] : memref<2x1000x128xf32, #tpu.memory_space<vmem>>, vector<1x1000x128xf32>
    %get3A_3 = vector.shape_cast %get3A_2 : vector<1x1000x128xf32> to vector<1000x128xf32>
    %get3A_4 = arith.constant 1 : index
    %get3A_5 = arith.constant 0 : index
    %get3A_6 = arith.constant 0 : index
    %get3A_7 = vector.load %arg1[%get3A_4, %get3A_5, %get3A_6] : memref<2x1000x128xf32, #tpu.memory_space<vmem>>, vector<1x1000x128xf32>
    %get3A_8 = vector.shape_cast %get3A_7 : vector<1x1000x128xf32> to vector<1000x128xf32>
    %add3A = arith.addf %get3A_3, %get3A_8 : vector<1000x128xf32>
    %get3A_9 = arith.constant 0 : index
    %get3A_10 = arith.constant 0 : index
    %get3A_11 = vector.load %arg2[%get3A_9, %get3A_10] : memref<1000x1xf32, #tpu.memory_space<vmem>>, vector<1000x1xf32>
    %mul3A = vector.broadcast %get3A_11 : vector<1000x1xf32> to vector<1000x128xf32>
    %mul3A_12 = arith.mulf %add3A, %mul3A : vector<1000x128xf32>
    %get3A_13 = arith.constant 0 : index
    %get3A_14 = arith.constant 0 : index
    %get3A_15 = vector.load %arg3[%get3A_13, %get3A_14] : memref<1x128xf32, #tpu.memory_space<vmem>>, vector<1x128xf32>
    %add3A_16 = vector.broadcast %get3A_15 : vector<1x128xf32> to vector<1000x128xf32>
    %add3A_17 = arith.addf %mul3A_12, %add3A_16 : vector<1000x128xf32>
    %swap3A = arith.constant 0 : index
    %swap3A_18 = arith.constant 0 : index
    %swap3A_19 = vector.load %arg4[%swap3A, %swap3A_18] : memref<1000x128xf32, #tpu.memory_space<vmem>>, vector<1000x128xf32>
    tpu.vector_store %arg4[%swap3A, %swap3A_18], %add3A_17 {strides = array<i32>} : memref<1000x128xf32, #tpu.memory_space<vmem>>, vector<1000x128xf32>,
    return
  }
  func.func @transform_0(%arg0: i32) -> (i32, i32, i32) {
    %c0_i32 = arith.constant 0 : i32
    %c0_i32_0 = arith.constant 0 : i32
    %c0_i32_1 = arith.constant 0 : i32
    return %c0_i32, %arg0, %c0_i32_0 : i32, i32, i32
  }
  func.func @transform_1(%arg0: i32) -> (i32, i32) {
    %c0_i32 = arith.constant 0 : i32
    %c0_i32_0 = arith.constant 0 : i32
    return %arg0, %c0_i32 : i32, i32
  }
  func.func @transform_2(%arg0: i32) -> (i32, i32) {
    %c0_i32 = arith.constant 0 : i32
    %c0_i32_0 = arith.constant 0 : i32
    %c0_i32_1 = arith.constant 0 : i32
    return %c0_i32, %c0_i32_0 : i32, i32
  }
  func.func @transform_3(%arg0: i32) -> (i32, i32) {
    %c0_i32 = arith.constant 0 : i32
    %c0_i32_0 = arith.constant 0 : i32
    return %arg0, %c0_i32 : i32, i32
  }
}

</mosaic_0001>

<sc_bundles>
// kernel: kernel.11.cloned.1.call-start
scs
__scs_entry_jumppad:
0x0: {  	(pc) =	sbr.rel $0x88, $3  }
0x1: {  	(tag) =	ssettag $0x0;
	lr =	simm.s32 $0x1  }
0x2: {  	[smem:$0x3F9B] =	sst lr;
	_ =	strace $0xD0000000  }
0x3: {  	_ = 	snop  }
0x4: {  	_ = 	snop  }
0x5: {  	_ = 	snop  }
0x6: {  	_ = 	snop  }
0x7: {  	_ = 	snop  }
__scs_overlays_trampoline_lowered:
0x8: {  	[smem:$0x3FAA] =	sst s0  }
0x9: {  	[smem:$0x3FAB] =	sst s1  }
0xa: {  	[smem:$0x3FAC] =	sst s2  }
0xb: {  	[smem:$0x3FAD] =	sst s3  }
0xc: {  	[smem:$0x3FAE] =	sst s4  }
0xd: {  	[smem:$0x3FAF] =	sst s5  }
0xe: {  	[smem:$0x3FB0] =	sst s6  }
0xf: {  	[smem:$0x3FB1] =	sst s7  }
0x10: {  	[smem:$0x3FB2] =	sst s8  }
0x11: {  	[smem:$0x3FB3] =	sst s9;
	s0 =	simm.s32 @!p0 $0x0  }
0x12: {  	s1 =	sld [smem:$0x3F99];
	s0 =	simm.s32 @p0 $0x1  }
0x13: {  	[smem:$0x3FB4] =	sst s0;
	s0 =	simm.s32 @!p1 $0x0  }
0x14: {  	s2 =	sld [smem:$0x3F98];
	s0 =	simm.s32 @p1 $0x1  }
0x15: {  	[smem:$0x3FB5] =	sst s0;
	s0 =	simm.s32 @!p2 $0x0  }
0x16: {  	s3 =	sld [smem:$0x3FDB];
	s0 =	simm.s32 @p2 $0x1  }
0x17: {  	s4 =	simm.s32 $0x1BF5;
	[smem:$0x3FB7] =	sst s0  }
0x18: {  	s0 =	sld [smem:$0x3F9A];
	_ =	swait.ge [sflag:s4], $0x0  }
0x19: {  	s7 =	sld [smem:$0x3F9B]  }
0x1a: {  	s8 =	sadd.s32 $0xFFFFE003, lr  }
0x1b: {  	s9 =	sadd.s32 $0xFFFFFEF7, lr;
	s5 =	simm.s32 $0xFFFFFFFF;
	p2 =	slt.u32 s8, $0xFFFFF086  }
0x1c: {  	p1 =	slt.u32 s9, $0xF7A;
	s5 =	simm.s32 @!p2 $0x0  }
0x1d: {  	s5 =	simm.s32 @p1 $0x1;
	p0 =	seq.s32 s7, s2  }
0x1e: {  	s7 =	smul.u32 @!p0 $0xF7A, s2;
	p2 =	seq.s32 @!p0 s5, $0x0  }
0x1f: {  	s9 =	smul.u32 $0xF7A, s1;
	s8 =	simm.s32 @!p0 $0x1BF5;
	p2 =	por !p2, p0  }
0x20: {  	[sflag:s8] =	ssyncset.s32 @!p0 $0xFFFFF086;
	s6 =	sadd.s32 @!p0 s3, s7;
	s7 =	simm.s32 @!p0 $0x108  }
0x21: {  	s3 =	sadd.s32 s3, s9;
	s6 =	sadd.s32 @!p0 $0x88, s6;
	s7 =	simm.s32 @p2 $0x1082  }
0x22: {  	[simem:s7], [sflag:s8] =	dma.local @!p0 [hbm:s6], $0xF7A  }
0x23: {  	s9 =	sor.u32 $0xD0000000, s2;
	s6 =	simm.s32 $0x108;
	_ =	swait.ge @!p0 [sflag:s8], $0x0  }
0x24: {  	s3 =	sadd.s32 $0x88, s3;
	s6 =	simm.s32 @!p1 $0x1082;
	[sflag:s4] =	ssyncset.s32 $0xFFFFF086  }
0x25: {  	[simem:s6], [sflag:s4] =	dma.local [hbm:s3], $0xF7A  }
0x26: {  	[smem:$0x3F9B] =	sst s1;
	(tag) =	ssettag s2;
	_ =	strace s9  }
0x27: {  	s1 =	sld [smem:$0x3FAB]  }
0x28: {  	s2 =	sld [smem:$0x3FAC]  }
0x29: {  	s4 =	sld [smem:$0x3FAE]  }
0x2a: {  	p0 =	seq.s32 s5, $0x0;
	s5 =	sld [smem:$0x3FAF]  }
0x2b: {  	s6 =	sld [smem:$0x3FB0]  }
0x2c: {  	s7 =	sld [smem:$0x3FB1]  }
0x2d: {  	s3 =	simm.s32 $0x108;
	s8 =	sld [smem:$0x3FB2]  }
0x2e: {  	s3 =	simm.s32 @!p0 $0x1082;
	s9 =	sld [smem:$0x3FB3]  }
0x2f: {  	lr =	sadd.s32 s0, s3;
	s0 =	sld [smem:$0x3FAA]  }
0x30: {  	s3 =	sld [smem:$0x3FAD]  }
0x31: {  	[smem:$0x3FB6] =	sst s10  }
0x32: {  	s10 =	sld [smem:$0x3FB4];
	_ =	sdelay $0x3  }
0x33: {  	p0 =	seq.s32 s10, $0x1;
	s10 =	sld [smem:$0x3FB6];
	_ =	sdelay $0x3  }
0x34: {  	[smem:$0x3FB6] =	sst s10  }
0x35: {  	s10 =	sld [smem:$0x3FB5];
	_ =	sdelay $0x3  }
0x36: {  	p1 =	seq.s32 s10, $0x1;
	s10 =	sld [smem:$0x3FB6];
	_ =	sdelay $0x3  }
0x37: {  	[smem:$0x3FB6] =	sst s10  }
0x38: {  	s10 =	sld [smem:$0x3FB7]  }
0x39: {  	_ = 	snop;
	(pc) =	sbr.ind lr, $3  }
0x3a: {  	_ = 	snop  }
0x3b: {  	_ = 	snop  }
0x3c: {  	p2 =	seq.s32 s10, $0x1;
	s10 =	sld [smem:$0x3FB6]  }
0x3d: {  	_ =	shalt  }
0x3e: {  	_ =	shalt  }
0x3f: {  	_ =	shalt  }
0x40: {  	_ =	shalt  }
0x41: {  	_ =	shalt  }
0x42: {  	_ =	shalt  }
0x43: {  	_ =	shalt  }
0x44: {  	_ =	shalt  }
0x45: {  	_ =	shalt  }
0x46: {  	_ =	shalt  }
0x47: {  	_ =	shalt  }
0x48: {  	_ =	shalt  }
0x49: {  	_ =	shalt  }
0x4a: {  	_ =	shalt  }
0x4b: {  	_ =	shalt  }
0x4c: {  	_ =	shalt  }
0x4d: {  	_ =	shalt  }
0x4e: {  	_ =	shalt  }
0x4f: {  	_ =	shalt  }
0x50: {  	_ =	shalt  }
0x51: {  	_ =	shalt  }
0x52: {  	_ =	shalt  }
0x53: {  	_ =	shalt  }
0x54: {  	_ =	shalt  }
0x55: {  	_ =	shalt  }
0x56: {  	_ =	shalt  }
0x57: {  	_ =	shalt  }
0x58: {  	_ =	shalt  }
0x59: {  	_ =	shalt  }
0x5a: {  	_ =	shalt  }
0x5b: {  	_ =	shalt  }
0x5c: {  	_ =	shalt  }
0x5d: {  	_ =	shalt  }
0x5e: {  	_ =	shalt  }
0x5f: {  	_ =	shalt  }
0x60: {  	_ =	shalt  }
0x61: {  	_ =	shalt  }
0x62: {  	_ =	shalt  }
0x63: {  	_ =	shalt  }
0x64: {  	_ =	shalt  }
0x65: {  	_ =	shalt  }
0x66: {  	_ =	shalt  }
0x67: {  	_ =	shalt  }
0x68: {  	_ =	shalt  }
0x69: {  	_ =	shalt  }
0x6a: {  	_ =	shalt  }
0x6b: {  	_ =	shalt  }
0x6c: {  	_ =	shalt  }
0x6d: {  	_ =	shalt  }
0x6e: {  	_ =	shalt  }
0x6f: {  	_ =	shalt  }
0x70: {  	_ =	shalt  }
0x71: {  	_ =	shalt  }
0x72: {  	_ =	shalt  }
0x73: {  	_ =	shalt  }
0x74: {  	_ =	shalt  }
0x75: {  	_ =	shalt  }
0x76: {  	_ =	shalt  }
0x77: {  	_ =	shalt  }
0x78: {  	_ =	shalt  }
0x79: {  	_ =	shalt  }
0x7a: {  	_ =	shalt  }
0x7b: {  	_ =	shalt  }
0x7c: {  	_ =	shalt  }
0x7d: {  	_ =	shalt  }
0x7e: {  	_ =	shalt  }
0x7f: {  	_ =	shalt  }
0x80: {  	_ =	shalt  }
0x81: {  	_ =	shalt  }
0x82: {  	_ =	shalt  }
0x83: {  	_ =	shalt  }
0x84: {  	_ =	shalt  }
0x85: {  	_ =	shalt  }
0x86: {  	_ =	shalt  }
0x87: {  	_ =	shalt  }
.Lfunc_end0:
.L_simem_size_0:
called_computation.1_lowered:
.L_overlay_start_0:
0x88: {  	s2 =	sld [smem:$0x3FD9]  }
0x89: {  	s3 =	sld [smem:$0x3FFE];
	_ =	sdelay $0x1  }
0x8a: {  	s1 =	srdreg.scid  }
0x8b: {  	s0 =	sand.u32 $0x1, s1  }
0x8c: {  	s17 =	sshll.u32 s0, $0xA;
	s2 =	sadd.s32 s3, s2  }
0x8d: {  	s2 =	sadd.s32 s2, s17  }
0x8e: {  	[smem:$0x3FC2] =	sst s2  }
0x8f: {  	_ = 	snop  }
0x90: {  	s2 =	sld [smem:$0x3FD0];
	(tm) =	ssettm $0x1  }
0x91: {  	s18 =	sld [smem:$0x3FFB];
	_ =	sdelay $0x3  }
0x92: {  	_ =	strace s18  }
0x93: {  	s3 =	sld [smem:$0x3FFC];
	_ =	sdelay $0x3  }
0x94: {  	_ =	strace s3  }
0x95: {  	s3 =	sld [smem:$0x3FFD];
	_ =	sdelay $0x3  }
0x96: {  	_ =	strace s3  }
0x97: {  	_ =	strace $0x8FFFFFFF  }
0x98: {  	s19 =	sld [smem:$0x3FDB];
	_ =	sdelay $0x1  }
0x99: {  	s4 =	simm.s32 $_scs_section_size  }
0x9a: {  	s5 =	simm.s32 $_size__tile_overlayer_lowered;
	s6 =	simm.s32 $_tile_overlayer_lowered  }
0x9b: {  	s22 =	simm.s32 $0x1BFF;
	s21 =	sshll.u32 s6, $0x1;
	s3 =	sadd.s32 s4, s19  }
0x9c: {  	s7 =	simm.s32 $0x0;
	s20 =	sshll.u32 s5, $0x1;
	s5 =	sadd.s32 s21, s3  }
0x9d: {  	[timem:s7], [sflag:s22] =	dma.local [hbm:s5], s20  }
0x9e: {  	_ =	swait.ge [sflag:s22], s20  }
0x9f: {  	s4 =	ssub.s32 $0x0, s20;
	[sflag:s22] =	ssyncset.done $0x0  }
0xa0: {  	[sflag:s22] =	ssyncadd.s32 s4;
	_ =	sdelay $0x1  }
0xa1: {  	s23 =	simm.s32 $0x1B8B  }
0xa2: {  	_ =	swait.ge [sflag:s23], $0x1  }
0xa3: {  	[sflag:s23] =	ssyncset.done $0x0  }
0xa4: {  	s25 =	simm.s32 $0x1B8E;
	s24 =	sld [smem:$0x3FFE];
	[sflag:s23] =	ssyncadd.s32 $0xFFFFFFFF  }
0xa5: {  	s26 =	simm.s32 $execute0_lowered;
	[smem:$0x3FD2] =	sst s25  }
0xa6: {  	s5 =	sshll.u32 s26, $0x1;
	_ =	strace $0x80000049;
	[dreg:$0x1] =	wrdreg $0xFFFFFFFF  }
0xa7: {  	s28 =	simm.s32 $_size_execute0_lowered;
	s3 =	sadd.s32 s3, s5;
	[dreg:$0x0] =	wrdreg $0x0  }
0xa8: {  	s5 =	sshll.u32 s28, $0x1;
	[dreg:$0x2] =	wrdreg s3  }
0xa9: {  	[dreg:$0x3] =	wrdreg s5  }
0xaa: {  	[dreg:$0x4] =	wrdreg $0xC0  }
0xab: {  	_ =	task [dreg:s7], $0x5FFFF  }
0xac: {  	[dreg:$0x1] =	wrdreg $0xFFFFFFFF  }
0xad: {  	[dreg:$0x0] =	wrdreg $0x60  }
0xae: {  	[dreg:$0x2] =	wrdreg s2  }
0xaf: {  	[dreg:$0x3] =	wrdreg s24  }
0xb0: {  	[dreg:$0x4] =	wrdreg $0xA8000  }
0xb1: {  	[dreg:$0x5] =	wrdreg $0x9  }
0xb2: {  	_ =	task.clear_ibuf [dreg:s7], $0x6FFFF;
	_ =	strace $0x90000049  }
0xb3: {  	s29 =	simm.s32 $0x9;
	_ =	strace $0x8000004B  }
0xb4: {  	_ =	swait.ge [sflag:s29], $0x1  }
0xb5: {  	[sflag:s29] =	ssyncadd.s32 $0xFFFFFFFF  }
0xb6: {  	_ =	strace $0x9000004B  }
0xb7: {  	_ =	sfence  }
0xb8: {  	s30 =	sld [smem:$0x0];
	_ =	sdelay $0x2  }
0xb9: {  	s31 =	sshll.u32 s1, $0xD;
	s1 =	sshrl.u32 s1, $0x2  }
0xba: {  	s3 =	sand.u32 $0x4000, s31;
	s1 =	sadd.s32 s1, s30  }
0xbb: {  	s0 =	sor.u32 s3, s0;
	s1 =	sshll.u32 s1, $0x11  }
0xbc: {  	s0 =	sor.u32 s1, s0  }
0xbd: {  	s0 =	sadd.s32 $0x8F2B, s0  }
0xbe: {  	[sflag:s0] =	ssyncadd.remote.s32 $0x1  }
0xbf: {  	_ =	sfence.sel $0xFFFF  }
0xc0: {  	[dreg:$0x0] =	wrdreg $0xFFFFFFFF;
	(pc) =	sbr.abs _section_cstart, $3  }
0xc1: {  	[dreg:$0x1] =	wrdreg $0xFFFFFFFF  }
0xc2: {  	_ =	task.clear_ibuf [dreg:s7], $0x2FFFF;
	_ =	strace $0x9FFFFFFF  }
0xc3: {  	(tm) =	ssettm $0x7FFFFFFF  }
tec
execute0_lowered:
.L_overlay_start_1:
0x0: {  	(tag) =	ssettag $0x1  }
0x1: {  	s1 =	rddreg [dreg:$0x0]  }
0x2: {  	s7 =	rddreg [dreg:$0x1];
	s0 =	stileid.u32  }
0x3: {  	s2 =	srdreg.scid;
	s3 =	rddreg [dreg:$0x2];
	s4 =	simm.s32 $0x0  }
0x4: {  	s19 =	simm.s32 $0x1;
	s20 =	simm.s32 $0x3400;
	s10 =	smul.u32 $0x2800, s0  }
0x5: {  	s21 =	simm.s32 $0x80;
	s22 =	simm.s32 $0x6800;
	s6 =	smul.u32 $0x14000, s0  }
0x6: {  	s16 =	sand.u32 $0x1, s2;
	s2 =	rddreg [dreg:$0x3];
	s29 =	smul.u32 $0x50000, s0  }
0x7: {  	s23 =	simm.s32 $0x0;
	[smem:$0x7FF] =	sst s4;
	s11 =	smul.u32 $0x1C00, s0  }
0x8: {  	s12 =	sadd.s32 $0xC600, s7;
	s13 =	sadd.s32 $0x2600, s7;
	s18 =	smul.u32 $0x680, s0  }
0x9: {  	s17 =	sadd.s32 $0x12C000, s3;
	p0 =	seq.s32 s0, $0xF;
	s5 =	smul.u32 $0x140000, s16  }
0xa: {  	_ =	strace $0x8000004A;
	s9 =	ssub.s32 $0x2, s16;
	p1 =	sne.s32 s16, $0x0  }
0xb: {  	s16 =	sshrl.u32 @p0 s17, $0x3;
	s8 =	sadd.s32 s10, s7;
	s30 =	sshrl.u32 s9, $0x1  }
0xc: {  	s31 =	sshrl.u32 s11, $0x3;
	s10 =	sadd.s32 s1, s10;
	s11 =	sadd.s32 $0x25800, s1  }
0xd: {  	s5 =	sadd.s32 s6, s5;
	s6 =	sshrl.u32 s29, $0x2;
	s15 =	ssub.s32 s9, s30  }
0xe: {  	s9 =	sadd.s32 $0x6800, s31;
	s5 =	sshrl.u32 s5, $0x3;
	s15 =	smax.u32 s15, $0x1  }
0xf: {  	s14 =	sadd.s32 s5, s7;
	s5 =	sadd.s32 s6, s3;
	s6 =	sadd.s32 $0x16600, s8  }
0x10: {  	s7 =	sadd.s32 $0x3BE00, s7;
	s8 =	sadd.s32 s12, s9;
	s9 =	sadd.s32 s13, s9  }
0x11: {  	s12 =	sadd.s32 s12, s18;
	s13 =	sadd.s32 s13, s18;
	s18 =	sshll.u32 @!p0 s0, $0x6  }
0x12: {  	s14 =	sadd.s32 $0x3D800, s14;
	s17 =	sor.u32 @!p0 $0x1C01, s18;
	s18 =	sshrl.u32 @!p0 s5, $0x3  }
.LBB2_1:
.Ltmp0:
0x13: {  	(pc) =	sbr.rel @p1 .LBB2_3-.Ltmp0, $1  }
0x14: {  	_ =	sdelay $0x3  }
0x15: {  	s24 =	simm.s32 @p0 $0x1FC1  }
0x16: {  	[spmem:s16], [sflag:s24] =	dma.local @p0 [hbm:s11], $0x1900  }
0x17: {  	s24 =	simm.s32 @p0 $0x1  }
0x18: {  	_ =	swait.ge @p0 [sflag:s24], $0x1900  }
0x19: {  	[sflag:s24] =	ssyncset.done @p0 $0x0  }
0x1a: {  	[sflag:s24] =	ssyncadd.s32 @p0 $0xFFFFE700;
	s24 =	simm.s32 @!p0 $0x1  }
0x1b: {  	[spmem:s18], [sflag:s17] =	dma.local @!p0 [hbm:s10], $0x2800  }
0x1c: {  	_ =	swait.ge @!p0 [sflag:s24], $0x2800  }
0x1d: {  	[sflag:s24] =	ssyncset.done @!p0 $0x0  }
0x1e: {  	[sflag:s24] =	ssyncadd.s32 @!p0 $0xFFFFD800  }
0x1f: {  	[tilespmem:s4], [sflag:$0x1] =	stream.linear.gather [hbm4b:s12+s4], $0x3400, $0x38;
	[tilespmem:$0x1E800] =	vst v63  }
0x20: {  	_ =	swait.ge [sflag:s19], $0x3400  }
0x21: {  	[sflag:s19] =	ssyncset.done $0x0  }
.Ltmp1:
0x22: {  	[sflag:s19] =	ssyncadd.s32 $0xFFFFCC00;
	(pc) =	sbr.rel .LBB2_4-.Ltmp1, $4  }
0x23: {  	[tilespmem:s20], [sflag:$0x1] =	stream.linear.gather [hbm4b:s13+s4], $0x3400, $0x38;
	[tilespmem:$0x1E800] =	vst v63  }
0x24: {  	_ =	swait.ge [sflag:s19], $0x3400  }
0x25: {  	[sflag:s19] =	ssyncset.done $0x0  }
0x26: {  	s26 =	simm.s32 $0x68;
	[sflag:s19] =	ssyncadd.s32 $0xFFFFCC00  }
.LBB2_3:
0x27: {  	s24 =	simm.s32 @p0 $0x1FC1  }
0x28: {  	[spmem:s16], [sflag:s24] =	dma.local @p0 [hbm:s7], $0x1900  }
0x29: {  	s24 =	simm.s32 @p0 $0x1  }
0x2a: {  	_ =	swait.ge @p0 [sflag:s24], $0x1900  }
0x2b: {  	[sflag:s24] =	ssyncset.done @p0 $0x0  }
0x2c: {  	[sflag:s24] =	ssyncadd.s32 @p0 $0xFFFFE700;
	s24 =	simm.s32 @!p0 $0x1  }
0x2d: {  	[spmem:s18], [sflag:s17] =	dma.local @!p0 [hbm:s6], $0x2800  }
0x2e: {  	_ =	swait.ge @!p0 [sflag:s24], $0x2800  }
0x2f: {  	[sflag:s24] =	ssyncset.done @!p0 $0x0  }
0x30: {  	[sflag:s24] =	ssyncadd.s32 @!p0 $0xFFFFD800  }
0x31: {  	[tilespmem:s4], [sflag:$0x1] =	stream.linear.gather [hbm4b:s8+s4], $0x1C00, $0x38;
	[tilespmem:$0x1E800] =	vst v63  }
0x32: {  	_ =	swait.ge [sflag:s19], $0x1C00  }
0x33: {  	[sflag:s19] =	ssyncset.done $0x0  }
0x34: {  	[sflag:s19] =	ssyncadd.s32 $0xFFFFE400  }
0x35: {  	[tilespmem:s20], [sflag:$0x1] =	stream.linear.gather [hbm4b:s9+s4], $0x1C00, $0x38;
	[tilespmem:$0x1E800] =	vst v63  }
0x36: {  	_ =	swait.ge [sflag:s19], $0x1C00  }
0x37: {  	[sflag:s19] =	ssyncset.done $0x0  }
0x38: {  	s26 =	simm.s32 $0x38;
	[sflag:s19] =	ssyncadd.s32 $0xFFFFE400  }
.LBB2_4:
0x39: {  	[bflag:$0x0] =	sbarrier.arrive $0xFFFF;
	s24 =	simm.s32 $0x0  }
0x3a: {  	[tilespmem:s22], [sflag:$0x1] =	stream.indirect.gather [hbm4b:s1+s21], $0x80, s24, s21, $0xb8;
	[tilespmem:$0x1E800] =	vst v63  }
0x3b: {  	p2 =	sne.s32 s26, $0x1;
	_ =	swait.ge [sflag:s19], $0x4000  }
.Ltmp2:
0x3c: {  	[sflag:s19] =	ssyncset.done $0x0;
	(pc) =	sbr.rel @!p2 .LBB2_6-.Ltmp2, $4  }
0x3d: {  	s25 =	simm.s32 $0x3400;
	[sflag:s19] =	ssyncadd.s32 $0xFFFFC000  }
0x3e: {  	[spmem:s3] =	stream.indirect.scatter.add.f32 [tilespmem:s22], [sflag:$0x1], $0x80, s25, s21, $0xb8;
	[tilespmem:$0x1E800] =	vst v63  }
0x3f: {  	_ =	swait.ge [sflag:s19], $0x4000  }
0x40: {  	s26 =	sadd.s32 $0xFFFFFFFF, s26;
	[sflag:s19] =	ssyncset.done $0x0  }
.LBB2_5:
0x41: {  	[sflag:s19] =	ssyncadd.s32 $0xFFFFC000;
	s24 =	sadd.s32 $0x80, s24;
	s25 =	sadd.s32 $0x80, s25  }
0x42: {  	[tilespmem:s22], [sflag:$0x1] =	stream.indirect.gather [hbm4b:s1+s21], $0x80, s24, s21, $0xb8;
	[tilespmem:$0x1E800] =	vst v63  }
0x43: {  	p2 =	sne.s32 s26, $0x1;
	s26 =	sadd.s32 $0xFFFFFFFF, s26;
	_ =	swait.ge [sflag:s19], $0x4000  }
.Ltmp3:
0x44: {  	[sflag:s19] =	ssyncset.done $0x0;
	(pc) =	sbr.rel @p2 .LBB2_5-.Ltmp3, $4  }
0x45: {  	[sflag:s19] =	ssyncadd.s32 $0xFFFFC000  }
0x46: {  	[spmem:s3] =	stream.indirect.scatter.add.f32 [tilespmem:s22], [sflag:$0x1], $0x80, s25, s21, $0xb8;
	[tilespmem:$0x1E800] =	vst v63  }
0x47: {  	_ =	swait.ge [sflag:s19], $0x4000  }
0x48: {  	[sflag:s19] =	ssyncset.done $0x0  }
.LBB2_6:
0x49: {  	[sflag:s19] =	ssyncadd.s32 $0xFFFFC000;
	s23 =	sadd.s32 $0x1, s23  }
0x4a: {  	s24 =	sshll.u32 s0, $0x6;
	s25 =	sshrl.u32 s5, $0x3;
	p2 =	sne.s32 s23, s15  }
.Ltmp4:
0x4b: {  	[bflag:$0x0] =	sbarrier.arrive $0xFFFF;
	s24 =	sor.u32 $0x1C01, s24;
	(pc) =	sbr.rel @p2 .LBB2_1-.Ltmp4, $4  }
0x4c: {  	[hbm:s14], [sflag:s24] =	dma.local [spmem:s25], $0x2800  }
0x4d: {  	_ =	swait.ge [sflag:s19], $0x2800  }
0x4e: {  	[sflag:s19] =	ssyncset.done $0x0  }
0x4f: {  	[sflag:s19] =	ssyncadd.s32 $0xFFFFD800  }
0x50: {  	_ =	sfence.sel $0x180000  }
0x51: {  	[bflag:$0x0] =	sbarrier.arrive $0xFFFF  }
0x52: {  	p0 =	sne.s32 s0, $0x0;
	_ =	strace $0x9000004A  }
0x53: {  	s0 =	sadd.s32 @!p0 $0x100000, s2;
	[bflag:$0x2] =	sbarrier.arrive $0xFFFF  }
0x54: {  	[sflag:s0] =	ssyncadd.tile.s32 @!p0 $0x1;
	_ =	shalt  }
.Lfunc_end2:
_tile_overlayer_lowered:
.L_overlay_start_2:
0x55: {  	(tag) =	ssettag $0x2  }
0x56: {  	s0 =	rddreg [dreg:$0x0];
	s2 =	stileid.u32  }
0x57: {  	s1 =	rddreg [dreg:$0x1];
	p0 =	sne.s32 s2, $0x0  }
0x58: {  	s3 =	rddreg [dreg:$0x2];
	[bflag:$0x3] =	sbarrier.arrive $0xFFFF;
	s2 =	simm.s32 @!p0 $0x1C01  }
0x59: {  	[timem:s3], [sflag:s2] =	dma.local @!p0 [hbm:s0], s1  }
0x5a: {  	s0 =	simm.s32 @!p0 $0x1  }
0x5b: {  	_ =	swait.ge @!p0 [sflag:s0], s1  }
0x5c: {  	s1 =	ssub.s32 @!p0 $0x0, s1;
	[sflag:s0] =	ssyncset.done @!p0 $0x0  }
0x5d: {  	[sflag:s0] =	ssyncadd.s32 @!p0 s1  }
0x5e: {  	[bflag:$0x3] =	sbarrier.arrive $0xFFFF  }
0x5f: {  	_ =	shalt  }

// kernel: kernel.14.cloned.1.call-start
scs
__scs_entry_jumppad:
0x0: {  	(pc) =	sbr.rel $0x88, $3  }
0x1: {  	(tag) =	ssettag $0x0;
	lr =	simm.s32 $0x1  }
0x2: {  	[smem:$0x3F9B] =	sst lr;
	_ =	strace $0xD0000000  }
0x3: {  	_ = 	snop  }
0x4: {  	_ = 	snop  }
0x5: {  	_ = 	snop  }
0x6: {  	_ = 	snop  }
0x7: {  	_ = 	snop  }
__scs_overlays_trampoline_lowered:
0x8: {  	[smem:$0x3FAA] =	sst s0  }
0x9: {  	[smem:$0x3FAB] =	sst s1  }
0xa: {  	[smem:$0x3FAC] =	sst s2  }
0xb: {  	[smem:$0x3FAD] =	sst s3  }
0xc: {  	[smem:$0x3FAE] =	sst s4  }
0xd: {  	[smem:$0x3FAF] =	sst s5  }
0xe: {  	[smem:$0x3FB0] =	sst s6  }
0xf: {  	[smem:$0x3FB1] =	sst s7  }
0x10: {  	[smem:$0x3FB2] =	sst s8  }
0x11: {  	[smem:$0x3FB3] =	sst s9;
	s0 =	simm.s32 @!p0 $0x0  }
0x12: {  	s1 =	sld [smem:$0x3F99];
	s0 =	simm.s32 @p0 $0x1  }
0x13: {  	[smem:$0x3FB4] =	sst s0;
	s0 =	simm.s32 @!p1 $0x0  }
0x14: {  	s2 =	sld [smem:$0x3F98];
	s0 =	simm.s32 @p1 $0x1  }
0x15: {  	[smem:$0x3FB5] =	sst s0;
	s0 =	simm.s32 @!p2 $0x0  }
0x16: {  	s3 =	sld [smem:$0x3FDB];
	s0 =	simm.s32 @p2 $0x1  }
0x17: {  	s4 =	simm.s32 $0x1BF5;
	[smem:$0x3FB7] =	sst s0  }
0x18: {  	s0 =	sld [smem:$0x3F9A];
	_ =	swait.ge [sflag:s4], $0x0  }
0x19: {  	s7 =	sld [smem:$0x3F9B]  }
0x1a: {  	s8 =	sadd.s32 $0xFFFFE003, lr  }
0x1b: {  	s9 =	sadd.s32 $0xFFFFFEF7, lr;
	s5 =	simm.s32 $0xFFFFFFFF;
	p2 =	slt.u32 s8, $0xFFFFF086  }
0x1c: {  	p1 =	slt.u32 s9, $0xF7A;
	s5 =	simm.s32 @!p2 $0x0  }
0x1d: {  	s5 =	simm.s32 @p1 $0x1;
	p0 =	seq.s32 s7, s2  }
0x1e: {  	s7 =	smul.u32 @!p0 $0xF7A, s2;
	p2 =	seq.s32 @!p0 s5, $0x0  }
0x1f: {  	s9 =	smul.u32 $0xF7A, s1;
	s8 =	simm.s32 @!p0 $0x1BF5;
	p2 =	por !p2, p0  }
0x20: {  	[sflag:s8] =	ssyncset.s32 @!p0 $0xFFFFF086;
	s6 =	sadd.s32 @!p0 s3, s7;
	s7 =	simm.s32 @!p0 $0x108  }
0x21: {  	s3 =	sadd.s32 s3, s9;
	s6 =	sadd.s32 @!p0 $0x88, s6;
	s7 =	simm.s32 @p2 $0x1082  }
0x22: {  	[simem:s7], [sflag:s8] =	dma.local @!p0 [hbm:s6], $0xF7A  }
0x23: {  	s9 =	sor.u32 $0xD0000000, s2;
	s6 =	simm.s32 $0x108;
	_ =	swait.ge @!p0 [sflag:s8], $0x0  }
0x24: {  	s3 =	sadd.s32 $0x88, s3;
	s6 =	simm.s32 @!p1 $0x1082;
	[sflag:s4] =	ssyncset.s32 $0xFFFFF086  }
0x25: {  	[simem:s6], [sflag:s4] =	dma.local [hbm:s3], $0xF7A  }
0x26: {  	[smem:$0x3F9B] =	sst s1;
	(tag) =	ssettag s2;
	_ =	strace s9  }
0x27: {  	s1 =	sld [smem:$0x3FAB]  }
0x28: {  	s2 =	sld [smem:$0x3FAC]  }
0x29: {  	s4 =	sld [smem:$0x3FAE]  }
0x2a: {  	p0 =	seq.s32 s5, $0x0;
	s5 =	sld [smem:$0x3FAF]  }
0x2b: {  	s6 =	sld [smem:$0x3FB0]  }
0x2c: {  	s7 =	sld [smem:$0x3FB1]  }
0x2d: {  	s3 =	simm.s32 $0x108;
	s8 =	sld [smem:$0x3FB2]  }
0x2e: {  	s3 =	simm.s32 @!p0 $0x1082;
	s9 =	sld [smem:$0x3FB3]  }
0x2f: {  	lr =	sadd.s32 s0, s3;
	s0 =	sld [smem:$0x3FAA]  }
0x30: {  	s3 =	sld [smem:$0x3FAD]  }
0x31: {  	[smem:$0x3FB6] =	sst s10  }
0x32: {  	s10 =	sld [smem:$0x3FB4];
	_ =	sdelay $0x3  }
0x33: {  	p0 =	seq.s32 s10, $0x1;
	s10 =	sld [smem:$0x3FB6];
	_ =	sdelay $0x3  }
0x34: {  	[smem:$0x3FB6] =	sst s10  }
0x35: {  	s10 =	sld [smem:$0x3FB5];
	_ =	sdelay $0x3  }
0x36: {  	p1 =	seq.s32 s10, $0x1;
	s10 =	sld [smem:$0x3FB6];
	_ =	sdelay $0x3  }
0x37: {  	[smem:$0x3FB6] =	sst s10  }
0x38: {  	s10 =	sld [smem:$0x3FB7]  }
0x39: {  	_ = 	snop;
	(pc) =	sbr.ind lr, $3  }
0x3a: {  	_ = 	snop  }
0x3b: {  	_ = 	snop  }
0x3c: {  	p2 =	seq.s32 s10, $0x1;
	s10 =	sld [smem:$0x3FB6]  }
0x3d: {  	_ =	shalt  }
0x3e: {  	_ =	shalt  }
0x3f: {  	_ =	shalt  }
0x40: {  	_ =	shalt  }
0x41: {  	_ =	shalt  }
0x42: {  	_ =	shalt  }
0x43: {  	_ =	shalt  }
0x44: {  	_ =	shalt  }
0x45: {  	_ =	shalt  }
0x46: {  	_ =	shalt  }
0x47: {  	_ =	shalt  }
0x48: {  	_ =	shalt  }
0x49: {  	_ =	shalt  }
0x4a: {  	_ =	shalt  }
0x4b: {  	_ =	shalt  }
0x4c: {  	_ =	shalt  }
0x4d: {  	_ =	shalt  }
0x4e: {  	_ =	shalt  }
0x4f: {  	_ =	shalt  }
0x50: {  	_ =	shalt  }
0x51: {  	_ =	shalt  }
0x52: {  	_ =	shalt  }
0x53: {  	_ =	shalt  }
0x54: {  	_ =	shalt  }
0x55: {  	_ =	shalt  }
0x56: {  	_ =	shalt  }
0x57: {  	_ =	shalt  }
0x58: {  	_ =	shalt  }
0x59: {  	_ =	shalt  }
0x5a: {  	_ =	shalt  }
0x5b: {  	_ =	shalt  }
0x5c: {  	_ =	shalt  }
0x5d: {  	_ =	shalt  }
0x5e: {  	_ =	shalt  }
0x5f: {  	_ =	shalt  }
0x60: {  	_ =	shalt  }
0x61: {  	_ =	shalt  }
0x62: {  	_ =	shalt  }
0x63: {  	_ =	shalt  }
0x64: {  	_ =	shalt  }
0x65: {  	_ =	shalt  }
0x66: {  	_ =	shalt  }
0x67: {  	_ =	shalt  }
0x68: {  	_ =	shalt  }
0x69: {  	_ =	shalt  }
0x6a: {  	_ =	shalt  }
0x6b: {  	_ =	shalt  }
0x6c: {  	_ =	shalt  }
0x6d: {  	_ =	shalt  }
0x6e: {  	_ =	shalt  }
0x6f: {  	_ =	shalt  }
0x70: {  	_ =	shalt  }
0x71: {  	_ =	shalt  }
0x72: {  	_ =	shalt  }
0x73: {  	_ =	shalt  }
0x74: {  	_ =	shalt  }
0x75: {  	_ =	shalt  }
0x76: {  	_ =	shalt  }
0x77: {  	_ =	shalt  }
0x78: {  	_ =	shalt  }
0x79: {  	_ =	shalt  }
0x7a: {  	_ =	shalt  }
0x7b: {  	_ =	shalt  }
0x7c: {  	_ =	shalt  }
0x7d: {  	_ =	shalt  }
0x7e: {  	_ =	shalt  }
0x7f: {  	_ =	shalt  }
0x80: {  	_ =	shalt  }
0x81: {  	_ =	shalt  }
0x82: {  	_ =	shalt  }
0x83: {  	_ =	shalt  }
0x84: {  	_ =	shalt  }
0x85: {  	_ =	shalt  }
0x86: {  	_ =	shalt  }
0x87: {  	_ =	shalt  }
.Lfunc_end0:
.L_simem_size_0:
called_computation.2_lowered:
.L_overlay_start_0:
0x88: {  	s2 =	sld [smem:$0x3FD9]  }
0x89: {  	s3 =	sld [smem:$0x3FFE];
	_ =	sdelay $0x1  }
0x8a: {  	s1 =	srdreg.scid  }
0x8b: {  	s0 =	sand.u32 $0x1, s1  }
0x8c: {  	s17 =	sshll.u32 s0, $0xA;
	s2 =	sadd.s32 s3, s2  }
0x8d: {  	s2 =	sadd.s32 s2, s17  }
0x8e: {  	[smem:$0x3FC2] =	sst s2  }
0x8f: {  	_ = 	snop  }
0x90: {  	s2 =	sld [smem:$0x3FD0];
	(tm) =	ssettm $0x1  }
0x91: {  	s18 =	sld [smem:$0x3FFB];
	_ =	sdelay $0x3  }
0x92: {  	_ =	strace s18  }
0x93: {  	s3 =	sld [smem:$0x3FFC];
	_ =	sdelay $0x3  }
0x94: {  	_ =	strace s3  }
0x95: {  	s3 =	sld [smem:$0x3FFD];
	_ =	sdelay $0x3  }
0x96: {  	_ =	strace s3  }
0x97: {  	_ =	strace $0x8FFFFFFF  }
0x98: {  	s19 =	sld [smem:$0x3FDB];
	_ =	sdelay $0x1  }
0x99: {  	s4 =	simm.s32 $_scs_section_size  }
0x9a: {  	s5 =	simm.s32 $_size__tile_overlayer_lowered;
	s6 =	simm.s32 $_tile_overlayer_lowered  }
0x9b: {  	s22 =	simm.s32 $0x1BFF;
	s21 =	sshll.u32 s6, $0x1;
	s3 =	sadd.s32 s4, s19  }
0x9c: {  	s7 =	simm.s32 $0x0;
	s20 =	sshll.u32 s5, $0x1;
	s5 =	sadd.s32 s21, s3  }
0x9d: {  	[timem:s7], [sflag:s22] =	dma.local [hbm:s5], s20  }
0x9e: {  	_ =	swait.ge [sflag:s22], s20  }
0x9f: {  	s4 =	ssub.s32 $0x0, s20;
	[sflag:s22] =	ssyncset.done $0x0  }
0xa0: {  	[sflag:s22] =	ssyncadd.s32 s4;
	_ =	sdelay $0x1  }
0xa1: {  	s23 =	simm.s32 $0x1B8B  }
0xa2: {  	_ =	swait.ge [sflag:s23], $0x1  }
0xa3: {  	[sflag:s23] =	ssyncset.done $0x0  }
0xa4: {  	s25 =	simm.s32 $0x1B8E;
	s24 =	sld [smem:$0x3FFE];
	[sflag:s23] =	ssyncadd.s32 $0xFFFFFFFF  }
0xa5: {  	s26 =	simm.s32 $execute0_lowered;
	[smem:$0x3FD2] =	sst s25  }
0xa6: {  	s5 =	sshll.u32 s26, $0x1;
	_ =	strace $0x8000004C;
	[dreg:$0x1] =	wrdreg $0xFFFFFFFF  }
0xa7: {  	s28 =	simm.s32 $_size_execute0_lowered;
	s3 =	sadd.s32 s3, s5;
	[dreg:$0x0] =	wrdreg $0x0  }
0xa8: {  	s5 =	sshll.u32 s28, $0x1;
	[dreg:$0x2] =	wrdreg s3  }
0xa9: {  	[dreg:$0x3] =	wrdreg s5  }
0xaa: {  	[dreg:$0x4] =	wrdreg $0xC0  }
0xab: {  	_ =	task [dreg:s7], $0x5FFFF  }
0xac: {  	[dreg:$0x1] =	wrdreg $0xFFFFFFFF  }
0xad: {  	[dreg:$0x0] =	wrdreg $0x60  }
0xae: {  	[dreg:$0x2] =	wrdreg s2  }
0xaf: {  	[dreg:$0x3] =	wrdreg s24  }
0xb0: {  	[dreg:$0x4] =	wrdreg $0xA8000  }
0xb1: {  	[dreg:$0x5] =	wrdreg $0x9  }
0xb2: {  	_ =	task.clear_ibuf [dreg:s7], $0x6FFFF;
	_ =	strace $0x9000004C  }
0xb3: {  	s29 =	simm.s32 $0x9;
	_ =	strace $0x8000004E  }
0xb4: {  	_ =	swait.ge [sflag:s29], $0x1  }
0xb5: {  	[sflag:s29] =	ssyncadd.s32 $0xFFFFFFFF  }
0xb6: {  	_ =	strace $0x9000004E  }
0xb7: {  	_ =	sfence  }
0xb8: {  	s30 =	sld [smem:$0x0];
	_ =	sdelay $0x2  }
0xb9: {  	s31 =	sshll.u32 s1, $0xD;
	s1 =	sshrl.u32 s1, $0x2  }
0xba: {  	s3 =	sand.u32 $0x4000, s31;
	s1 =	sadd.s32 s1, s30  }
0xbb: {  	s0 =	sor.u32 s3, s0;
	s1 =	sshll.u32 s1, $0x11  }
0xbc: {  	s0 =	sor.u32 s1, s0  }
0xbd: {  	s0 =	sadd.s32 $0x8F2B, s0  }
0xbe: {  	[sflag:s0] =	ssyncadd.remote.s32 $0x1  }
0xbf: {  	_ =	sfence.sel $0xFFFF  }
0xc0: {  	[dreg:$0x0] =	wrdreg $0xFFFFFFFF;
	(pc) =	sbr.abs _section_cstart, $3  }
0xc1: {  	[dreg:$0x1] =	wrdreg $0xFFFFFFFF  }
0xc2: {  	_ =	task.clear_ibuf [dreg:s7], $0x2FFFF;
	_ =	strace $0x9FFFFFFF  }
0xc3: {  	(tm) =	ssettm $0x7FFFFFFF  }
tec
execute0_lowered:
.L_overlay_start_1:
0x0: {  	(tag) =	ssettag $0x1  }
0x1: {  	s1 =	rddreg [dreg:$0x0]  }
0x2: {  	s7 =	rddreg [dreg:$0x1];
	s0 =	stileid.u32  }
0x3: {  	s2 =	srdreg.scid;
	s3 =	rddreg [dreg:$0x2];
	s4 =	simm.s32 $0x0  }
0x4: {  	s19 =	simm.s32 $0x1;
	s20 =	simm.s32 $0x3400;
	s10 =	smul.u32 $0x2800, s0  }
0x5: {  	s21 =	simm.s32 $0x80;
	s22 =	simm.s32 $0x6800;
	s6 =	smul.u32 $0x14000, s0  }
0x6: {  	s16 =	sand.u32 $0x1, s2;
	s2 =	rddreg [dreg:$0x3];
	s29 =	smul.u32 $0x50000, s0  }
0x7: {  	s23 =	simm.s32 $0x0;
	[smem:$0x7FF] =	sst s4;
	s11 =	smul.u32 $0x1C00, s0  }
0x8: {  	s12 =	sadd.s32 $0xC600, s7;
	s13 =	sadd.s32 $0x2600, s7;
	s18 =	smul.u32 $0x680, s0  }
0x9: {  	s17 =	sadd.s32 $0x12C000, s3;
	p0 =	seq.s32 s0, $0xF;
	s5 =	smul.u32 $0x140000, s16  }
0xa: {  	_ =	strace $0x8000004D;
	s9 =	ssub.s32 $0x2, s16;
	p1 =	sne.s32 s16, $0x0  }
0xb: {  	s16 =	sshrl.u32 @p0 s17, $0x3;
	s8 =	sadd.s32 s10, s7;
	s30 =	sshrl.u32 s9, $0x1  }
0xc: {  	s31 =	sshrl.u32 s11, $0x3;
	s10 =	sadd.s32 s1, s10;
	s11 =	sadd.s32 $0x25800, s1  }
0xd: {  	s5 =	sadd.s32 s6, s5;
	s6 =	sshrl.u32 s29, $0x2;
	s15 =	ssub.s32 s9, s30  }
0xe: {  	s9 =	sadd.s32 $0x6800, s31;
	s5 =	sshrl.u32 s5, $0x3;
	s15 =	smax.u32 s15, $0x1  }
0xf: {  	s14 =	sadd.s32 s5, s7;
	s5 =	sadd.s32 s6, s3;
	s6 =	sadd.s32 $0x16600, s8  }
0x10: {  	s7 =	sadd.s32 $0x3BE00, s7;
	s8 =	sadd.s32 s12, s9;
	s9 =	sadd.s32 s13, s9  }
0x11: {  	s12 =	sadd.s32 s12, s18;
	s13 =	sadd.s32 s13, s18;
	s18 =	sshll.u32 @!p0 s0, $0x6  }
0x12: {  	s14 =	sadd.s32 $0x3D800, s14;
	s17 =	sor.u32 @!p0 $0x1C01, s18;
	s18 =	sshrl.u32 @!p0 s5, $0x3  }
.LBB2_1:
.Ltmp0:
0x13: {  	(pc) =	sbr.rel @p1 .LBB2_3-.Ltmp0, $1  }
0x14: {  	_ =	sdelay $0x3  }
0x15: {  	s24 =	simm.s32 @p0 $0x1FC1  }
0x16: {  	[spmem:s16], [sflag:s24] =	dma.local @p0 [hbm:s11], $0x1900  }
0x17: {  	s24 =	simm.s32 @p0 $0x1  }
0x18: {  	_ =	swait.ge @p0 [sflag:s24], $0x1900  }
0x19: {  	[sflag:s24] =	ssyncset.done @p0 $0x0  }
0x1a: {  	[sflag:s24] =	ssyncadd.s32 @p0 $0xFFFFE700;
	s24 =	simm.s32 @!p0 $0x1  }
0x1b: {  	[spmem:s18], [sflag:s17] =	dma.local @!p0 [hbm:s10], $0x2800  }
0x1c: {  	_ =	swait.ge @!p0 [sflag:s24], $0x2800  }
0x1d: {  	[sflag:s24] =	ssyncset.done @!p0 $0x0  }
0x1e: {  	[sflag:s24] =	ssyncadd.s32 @!p0 $0xFFFFD800  }
0x1f: {  	[tilespmem:s4], [sflag:$0x1] =	stream.linear.gather [hbm4b:s12+s4], $0x3400, $0x38;
	[tilespmem:$0x1E800] =	vst v63  }
0x20: {  	_ =	swait.ge [sflag:s19], $0x3400  }
0x21: {  	[sflag:s19] =	ssyncset.done $0x0  }
.Ltmp1:
0x22: {  	[sflag:s19] =	ssyncadd.s32 $0xFFFFCC00;
	(pc) =	sbr.rel .LBB2_4-.Ltmp1, $4  }
0x23: {  	[tilespmem:s20], [sflag:$0x1] =	stream.linear.gather [hbm4b:s13+s4], $0x3400, $0x38;
	[tilespmem:$0x1E800] =	vst v63  }
0x24: {  	_ =	swait.ge [sflag:s19], $0x3400  }
0x25: {  	[sflag:s19] =	ssyncset.done $0x0  }
0x26: {  	s26 =	simm.s32 $0x68;
	[sflag:s19] =	ssyncadd.s32 $0xFFFFCC00  }
.LBB2_3:
0x27: {  	s24 =	simm.s32 @p0 $0x1FC1  }
0x28: {  	[spmem:s16], [sflag:s24] =	dma.local @p0 [hbm:s7], $0x1900  }
0x29: {  	s24 =	simm.s32 @p0 $0x1  }
0x2a: {  	_ =	swait.ge @p0 [sflag:s24], $0x1900  }
0x2b: {  	[sflag:s24] =	ssyncset.done @p0 $0x0  }
0x2c: {  	[sflag:s24] =	ssyncadd.s32 @p0 $0xFFFFE700;
	s24 =	simm.s32 @!p0 $0x1  }
0x2d: {  	[spmem:s18], [sflag:s17] =	dma.local @!p0 [hbm:s6], $0x2800  }
0x2e: {  	_ =	swait.ge @!p0 [sflag:s24], $0x2800  }
0x2f: {  	[sflag:s24] =	ssyncset.done @!p0 $0x0  }
0x30: {  	[sflag:s24] =	ssyncadd.s32 @!p0 $0xFFFFD800  }
0x31: {  	[tilespmem:s4], [sflag:$0x1] =	stream.linear.gather [hbm4b:s8+s4], $0x1C00, $0x38;
	[tilespmem:$0x1E800] =	vst v63  }
0x32: {  	_ =	swait.ge [sflag:s19], $0x1C00  }
0x33: {  	[sflag:s19] =	ssyncset.done $0x0  }
0x34: {  	[sflag:s19] =	ssyncadd.s32 $0xFFFFE400  }
0x35: {  	[tilespmem:s20], [sflag:$0x1] =	stream.linear.gather [hbm4b:s9+s4], $0x1C00, $0x38;
	[tilespmem:$0x1E800] =	vst v63  }
0x36: {  	_ =	swait.ge [sflag:s19], $0x1C00  }
0x37: {  	[sflag:s19] =	ssyncset.done $0x0  }
0x38: {  	s26 =	simm.s32 $0x38;
	[sflag:s19] =	ssyncadd.s32 $0xFFFFE400  }
.LBB2_4:
0x39: {  	[bflag:$0x0] =	sbarrier.arrive $0xFFFF;
	s24 =	simm.s32 $0x0  }
0x3a: {  	[tilespmem:s22], [sflag:$0x1] =	stream.indirect.gather [hbm4b:s1+s21], $0x80, s24, s21, $0xb8;
	[tilespmem:$0x1E800] =	vst v63  }
0x3b: {  	p2 =	sne.s32 s26, $0x1;
	_ =	swait.ge [sflag:s19], $0x4000  }
.Ltmp2:
0x3c: {  	[sflag:s19] =	ssyncset.done $0x0;
	(pc) =	sbr.rel @!p2 .LBB2_6-.Ltmp2, $4  }
0x3d: {  	s25 =	simm.s32 $0x3400;
	[sflag:s19] =	ssyncadd.s32 $0xFFFFC000  }
0x3e: {  	[spmem:s3] =	stream.indirect.scatter.add.f32 [tilespmem:s22], [sflag:$0x1], $0x80, s25, s21, $0xb8;
	[tilespmem:$0x1E800] =	vst v63  }
0x3f: {  	_ =	swait.ge [sflag:s19], $0x4000  }
0x40: {  	s26 =	sadd.s32 $0xFFFFFFFF, s26;
	[sflag:s19] =	ssyncset.done $0x0  }
.LBB2_5:
0x41: {  	[sflag:s19] =	ssyncadd.s32 $0xFFFFC000;
	s24 =	sadd.s32 $0x80, s24;
	s25 =	sadd.s32 $0x80, s25  }
0x42: {  	[tilespmem:s22], [sflag:$0x1] =	stream.indirect.gather [hbm4b:s1+s21], $0x80, s24, s21, $0xb8;
	[tilespmem:$0x1E800] =	vst v63  }
0x43: {  	p2 =	sne.s32 s26, $0x1;
	s26 =	sadd.s32 $0xFFFFFFFF, s26;
	_ =	swait.ge [sflag:s19], $0x4000  }
.Ltmp3:
0x44: {  	[sflag:s19] =	ssyncset.done $0x0;
	(pc) =	sbr.rel @p2 .LBB2_5-.Ltmp3, $4  }
0x45: {  	[sflag:s19] =	ssyncadd.s32 $0xFFFFC000  }
0x46: {  	[spmem:s3] =	stream.indirect.scatter.add.f32 [tilespmem:s22], [sflag:$0x1], $0x80, s25, s21, $0xb8;
	[tilespmem:$0x1E800] =	vst v63  }
0x47: {  	_ =	swait.ge [sflag:s19], $0x4000  }
0x48: {  	[sflag:s19] =	ssyncset.done $0x0  }
.LBB2_6:
0x49: {  	[sflag:s19] =	ssyncadd.s32 $0xFFFFC000;
	s23 =	sadd.s32 $0x1, s23  }
0x4a: {  	s24 =	sshll.u32 s0, $0x6;
	s25 =	sshrl.u32 s5, $0x3;
	p2 =	sne.s32 s23, s15  }
.Ltmp4:
0x4b: {  	[bflag:$0x0] =	sbarrier.arrive $0xFFFF;
	s24 =	sor.u32 $0x1C01, s24;
	(pc) =	sbr.rel @p2 .LBB2_1-.Ltmp4, $4  }
0x4c: {  	[hbm:s14], [sflag:s24] =	dma.local [spmem:s25], $0x2800  }
0x4d: {  	_ =	swait.ge [sflag:s19], $0x2800  }
0x4e: {  	[sflag:s19] =	ssyncset.done $0x0  }
0x4f: {  	[sflag:s19] =	ssyncadd.s32 $0xFFFFD800  }
0x50: {  	_ =	sfence.sel $0x180000  }
0x51: {  	[bflag:$0x0] =	sbarrier.arrive $0xFFFF  }
0x52: {  	p0 =	sne.s32 s0, $0x0;
	_ =	strace $0x9000004D  }
0x53: {  	s0 =	sadd.s32 @!p0 $0x100000, s2;
	[bflag:$0x2] =	sbarrier.arrive $0xFFFF  }
0x54: {  	[sflag:s0] =	ssyncadd.tile.s32 @!p0 $0x1;
	_ =	shalt  }
.Lfunc_end2:
_tile_overlayer_lowered:
.L_overlay_start_2:
0x55: {  	(tag) =	ssettag $0x2  }
0x56: {  	s0 =	rddreg [dreg:$0x0];
	s2 =	stileid.u32  }
0x57: {  	s1 =	rddreg [dreg:$0x1];
	p0 =	sne.s32 s2, $0x0  }
0x58: {  	s3 =	rddreg [dreg:$0x2];
	[bflag:$0x3] =	sbarrier.arrive $0xFFFF;
	s2 =	simm.s32 @!p0 $0x1C01  }
0x59: {  	[timem:s3], [sflag:s2] =	dma.local @!p0 [hbm:s0], s1  }
0x5a: {  	s0 =	simm.s32 @!p0 $0x1  }
0x5b: {  	_ =	swait.ge @!p0 [sflag:s0], s1  }
0x5c: {  	s1 =	ssub.s32 @!p0 $0x0, s1;
	[sflag:s0] =	ssyncset.done @!p0 $0x0  }
0x5d: {  	[sflag:s0] =	ssyncadd.s32 @!p0 s1  }
0x5e: {  	[bflag:$0x3] =	sbarrier.arrive $0xFFFF  }
0x5f: {  	_ =	shalt  }

// kernel: kernel.8.cloned.1.call-start
scs
__scs_entry_jumppad:
0x0: {  	(pc) =	sbr.rel $0x88, $3  }
0x1: {  	(tag) =	ssettag $0x0;
	lr =	simm.s32 $0x1  }
0x2: {  	[smem:$0x3F9B] =	sst lr;
	_ =	strace $0xD0000000  }
0x3: {  	_ = 	snop  }
0x4: {  	_ = 	snop  }
0x5: {  	_ = 	snop  }
0x6: {  	_ = 	snop  }
0x7: {  	_ = 	snop  }
__scs_overlays_trampoline_lowered:
0x8: {  	[smem:$0x3FAA] =	sst s0  }
0x9: {  	[smem:$0x3FAB] =	sst s1  }
0xa: {  	[smem:$0x3FAC] =	sst s2  }
0xb: {  	[smem:$0x3FAD] =	sst s3  }
0xc: {  	[smem:$0x3FAE] =	sst s4  }
0xd: {  	[smem:$0x3FAF] =	sst s5  }
0xe: {  	[smem:$0x3FB0] =	sst s6  }
0xf: {  	[smem:$0x3FB1] =	sst s7  }
0x10: {  	[smem:$0x3FB2] =	sst s8  }
0x11: {  	[smem:$0x3FB3] =	sst s9;
	s0 =	simm.s32 @!p0 $0x0  }
0x12: {  	s1 =	sld [smem:$0x3F99];
	s0 =	simm.s32 @p0 $0x1  }
0x13: {  	[smem:$0x3FB4] =	sst s0;
	s0 =	simm.s32 @!p1 $0x0  }
0x14: {  	s2 =	sld [smem:$0x3F98];
	s0 =	simm.s32 @p1 $0x1  }
0x15: {  	[smem:$0x3FB5] =	sst s0;
	s0 =	simm.s32 @!p2 $0x0  }
0x16: {  	s3 =	sld [smem:$0x3FDB];
	s0 =	simm.s32 @p2 $0x1  }
0x17: {  	s4 =	simm.s32 $0x1BF5;
	[smem:$0x3FB7] =	sst s0  }
0x18: {  	s0 =	sld [smem:$0x3F9A];
	_ =	swait.ge [sflag:s4], $0x0  }
0x19: {  	s7 =	sld [smem:$0x3F9B]  }
0x1a: {  	s8 =	sadd.s32 $0xFFFFE003, lr  }
0x1b: {  	s9 =	sadd.s32 $0xFFFFFEF7, lr;
	s5 =	simm.s32 $0xFFFFFFFF;
	p2 =	slt.u32 s8, $0xFFFFF086  }
0x1c: {  	p1 =	slt.u32 s9, $0xF7A;
	s5 =	simm.s32 @!p2 $0x0  }
0x1d: {  	s5 =	simm.s32 @p1 $0x1;
	p0 =	seq.s32 s7, s2  }
0x1e: {  	s7 =	smul.u32 @!p0 $0xF7A, s2;
	p2 =	seq.s32 @!p0 s5, $0x0  }
0x1f: {  	s9 =	smul.u32 $0xF7A, s1;
	s8 =	simm.s32 @!p0 $0x1BF5;
	p2 =	por !p2, p0  }
0x20: {  	[sflag:s8] =	ssyncset.s32 @!p0 $0xFFFFF086;
	s6 =	sadd.s32 @!p0 s3, s7;
	s7 =	simm.s32 @!p0 $0x108  }
0x21: {  	s3 =	sadd.s32 s3, s9;
	s6 =	sadd.s32 @!p0 $0x88, s6;
	s7 =	simm.s32 @p2 $0x1082  }
0x22: {  	[simem:s7], [sflag:s8] =	dma.local @!p0 [hbm:s6], $0xF7A  }
0x23: {  	s9 =	sor.u32 $0xD0000000, s2;
	s6 =	simm.s32 $0x108;
	_ =	swait.ge @!p0 [sflag:s8], $0x0  }
0x24: {  	s3 =	sadd.s32 $0x88, s3;
	s6 =	simm.s32 @!p1 $0x1082;
	[sflag:s4] =	ssyncset.s32 $0xFFFFF086  }
0x25: {  	[simem:s6], [sflag:s4] =	dma.local [hbm:s3], $0xF7A  }
0x26: {  	[smem:$0x3F9B] =	sst s1;
	(tag) =	ssettag s2;
	_ =	strace s9  }
0x27: {  	s1 =	sld [smem:$0x3FAB]  }
0x28: {  	s2 =	sld [smem:$0x3FAC]  }
0x29: {  	s4 =	sld [smem:$0x3FAE]  }
0x2a: {  	p0 =	seq.s32 s5, $0x0;
	s5 =	sld [smem:$0x3FAF]  }
0x2b: {  	s6 =	sld [smem:$0x3FB0]  }
0x2c: {  	s7 =	sld [smem:$0x3FB1]  }
0x2d: {  	s3 =	simm.s32 $0x108;
	s8 =	sld [smem:$0x3FB2]  }
0x2e: {  	s3 =	simm.s32 @!p0 $0x1082;
	s9 =	sld [smem:$0x3FB3]  }
0x2f: {  	lr =	sadd.s32 s0, s3;
	s0 =	sld [smem:$0x3FAA]  }
0x30: {  	s3 =	sld [smem:$0x3FAD]  }
0x31: {  	[smem:$0x3FB6] =	sst s10  }
0x32: {  	s10 =	sld [smem:$0x3FB4];
	_ =	sdelay $0x3  }
0x33: {  	p0 =	seq.s32 s10, $0x1;
	s10 =	sld [smem:$0x3FB6];
	_ =	sdelay $0x3  }
0x34: {  	[smem:$0x3FB6] =	sst s10  }
0x35: {  	s10 =	sld [smem:$0x3FB5];
	_ =	sdelay $0x3  }
0x36: {  	p1 =	seq.s32 s10, $0x1;
	s10 =	sld [smem:$0x3FB6];
	_ =	sdelay $0x3  }
0x37: {  	[smem:$0x3FB6] =	sst s10  }
0x38: {  	s10 =	sld [smem:$0x3FB7]  }
0x39: {  	_ = 	snop;
	(pc) =	sbr.ind lr, $3  }
0x3a: {  	_ = 	snop  }
0x3b: {  	_ = 	snop  }
0x3c: {  	p2 =	seq.s32 s10, $0x1;
	s10 =	sld [smem:$0x3FB6]  }
0x3d: {  	_ =	shalt  }
0x3e: {  	_ =	shalt  }
0x3f: {  	_ =	shalt  }
0x40: {  	_ =	shalt  }
0x41: {  	_ =	shalt  }
0x42: {  	_ =	shalt  }
0x43: {  	_ =	shalt  }
0x44: {  	_ =	shalt  }
0x45: {  	_ =	shalt  }
0x46: {  	_ =	shalt  }
0x47: {  	_ =	shalt  }
0x48: {  	_ =	shalt  }
0x49: {  	_ =	shalt  }
0x4a: {  	_ =	shalt  }
0x4b: {  	_ =	shalt  }
0x4c: {  	_ =	shalt  }
0x4d: {  	_ =	shalt  }
0x4e: {  	_ =	shalt  }
0x4f: {  	_ =	shalt  }
0x50: {  	_ =	shalt  }
0x51: {  	_ =	shalt  }
0x52: {  	_ =	shalt  }
0x53: {  	_ =	shalt  }
0x54: {  	_ =	shalt  }
0x55: {  	_ =	shalt  }
0x56: {  	_ =	shalt  }
0x57: {  	_ =	shalt  }
0x58: {  	_ =	shalt  }
0x59: {  	_ =	shalt  }
0x5a: {  	_ =	shalt  }
0x5b: {  	_ =	shalt  }
0x5c: {  	_ =	shalt  }
0x5d: {  	_ =	shalt  }
0x5e: {  	_ =	shalt  }
0x5f: {  	_ =	shalt  }
0x60: {  	_ =	shalt  }
0x61: {  	_ =	shalt  }
0x62: {  	_ =	shalt  }
0x63: {  	_ =	shalt  }
0x64: {  	_ =	shalt  }
0x65: {  	_ =	shalt  }
0x66: {  	_ =	shalt  }
0x67: {  	_ =	shalt  }
0x68: {  	_ =	shalt  }
0x69: {  	_ =	shalt  }
0x6a: {  	_ =	shalt  }
0x6b: {  	_ =	shalt  }
0x6c: {  	_ =	shalt  }
0x6d: {  	_ =	shalt  }
0x6e: {  	_ =	shalt  }
0x6f: {  	_ =	shalt  }
0x70: {  	_ =	shalt  }
0x71: {  	_ =	shalt  }
0x72: {  	_ =	shalt  }
0x73: {  	_ =	shalt  }
0x74: {  	_ =	shalt  }
0x75: {  	_ =	shalt  }
0x76: {  	_ =	shalt  }
0x77: {  	_ =	shalt  }
0x78: {  	_ =	shalt  }
0x79: {  	_ =	shalt  }
0x7a: {  	_ =	shalt  }
0x7b: {  	_ =	shalt  }
0x7c: {  	_ =	shalt  }
0x7d: {  	_ =	shalt  }
0x7e: {  	_ =	shalt  }
0x7f: {  	_ =	shalt  }
0x80: {  	_ =	shalt  }
0x81: {  	_ =	shalt  }
0x82: {  	_ =	shalt  }
0x83: {  	_ =	shalt  }
0x84: {  	_ =	shalt  }
0x85: {  	_ =	shalt  }
0x86: {  	_ =	shalt  }
0x87: {  	_ =	shalt  }
.Lfunc_end0:
.L_simem_size_0:
called_computation_lowered:
.L_overlay_start_0:
0x88: {  	s2 =	sld [smem:$0x3FD9]  }
0x89: {  	s3 =	sld [smem:$0x3FFE];
	_ =	sdelay $0x1  }
0x8a: {  	s1 =	srdreg.scid  }
0x8b: {  	s0 =	sand.u32 $0x1, s1  }
0x8c: {  	s17 =	sshll.u32 s0, $0xA;
	s2 =	sadd.s32 s3, s2  }
0x8d: {  	s2 =	sadd.s32 s2, s17  }
0x8e: {  	[smem:$0x3FC2] =	sst s2  }
0x8f: {  	_ = 	snop  }
0x90: {  	s2 =	sld [smem:$0x3FD0];
	(tm) =	ssettm $0x1  }
0x91: {  	s18 =	sld [smem:$0x3FFB];
	_ =	sdelay $0x3  }
0x92: {  	_ =	strace s18  }
0x93: {  	s3 =	sld [smem:$0x3FFC];
	_ =	sdelay $0x3  }
0x94: {  	_ =	strace s3  }
0x95: {  	s3 =	sld [smem:$0x3FFD];
	_ =	sdelay $0x3  }
0x96: {  	_ =	strace s3  }
0x97: {  	_ =	strace $0x8FFFFFFF  }
0x98: {  	s19 =	sld [smem:$0x3FDB];
	_ =	sdelay $0x1  }
0x99: {  	s4 =	simm.s32 $_scs_section_size  }
0x9a: {  	s5 =	simm.s32 $_size__tile_overlayer_lowered;
	s6 =	simm.s32 $_tile_overlayer_lowered  }
0x9b: {  	s22 =	simm.s32 $0x1BFF;
	s21 =	sshll.u32 s6, $0x1;
	s3 =	sadd.s32 s4, s19  }
0x9c: {  	s7 =	simm.s32 $0x0;
	s20 =	sshll.u32 s5, $0x1;
	s5 =	sadd.s32 s21, s3  }
0x9d: {  	[timem:s7], [sflag:s22] =	dma.local [hbm:s5], s20  }
0x9e: {  	_ =	swait.ge [sflag:s22], s20  }
0x9f: {  	s4 =	ssub.s32 $0x0, s20;
	[sflag:s22] =	ssyncset.done $0x0  }
0xa0: {  	[sflag:s22] =	ssyncadd.s32 s4;
	_ =	sdelay $0x1  }
0xa1: {  	s23 =	simm.s32 $0x1B8B  }
0xa2: {  	_ =	swait.ge [sflag:s23], $0x1  }
0xa3: {  	[sflag:s23] =	ssyncset.done $0x0  }
0xa4: {  	s25 =	simm.s32 $0x1B8E;
	s24 =	sld [smem:$0x3FFE];
	[sflag:s23] =	ssyncadd.s32 $0xFFFFFFFF  }
0xa5: {  	s26 =	simm.s32 $execute0_lowered;
	[smem:$0x3FD2] =	sst s25  }
0xa6: {  	s5 =	sshll.u32 s26, $0x1;
	_ =	strace $0x80000046;
	[dreg:$0x1] =	wrdreg $0xFFFFFFFF  }
0xa7: {  	s28 =	simm.s32 $_size_execute0_lowered;
	s3 =	sadd.s32 s3, s5;
	[dreg:$0x0] =	wrdreg $0x0  }
0xa8: {  	s5 =	sshll.u32 s28, $0x1;
	[dreg:$0x2] =	wrdreg s3  }
0xa9: {  	[dreg:$0x3] =	wrdreg s5  }
0xaa: {  	[dreg:$0x4] =	wrdreg $0xC0  }
0xab: {  	_ =	task [dreg:s7], $0x5FFFF  }
0xac: {  	[dreg:$0x1] =	wrdreg $0xFFFFFFFF  }
0xad: {  	[dreg:$0x0] =	wrdreg $0x60  }
0xae: {  	[dreg:$0x2] =	wrdreg s2  }
0xaf: {  	[dreg:$0x3] =	wrdreg s24  }
0xb0: {  	[dreg:$0x4] =	wrdreg $0x2B000  }
0xb1: {  	[dreg:$0x5] =	wrdreg $0x9  }
0xb2: {  	_ =	task.clear_ibuf [dreg:s7], $0x6FFFF;
	_ =	strace $0x90000046  }
0xb3: {  	s29 =	simm.s32 $0x9;
	_ =	strace $0x80000048  }
0xb4: {  	_ =	swait.ge [sflag:s29], $0x1  }
0xb5: {  	[sflag:s29] =	ssyncadd.s32 $0xFFFFFFFF  }
0xb6: {  	_ =	strace $0x90000048  }
0xb7: {  	_ =	sfence  }
0xb8: {  	s30 =	sld [smem:$0x0];
	_ =	sdelay $0x2  }
0xb9: {  	s31 =	sshll.u32 s1, $0xD;
	s1 =	sshrl.u32 s1, $0x2  }
0xba: {  	s3 =	sand.u32 $0x4000, s31;
	s1 =	sadd.s32 s1, s30  }
0xbb: {  	s0 =	sor.u32 s3, s0;
	s1 =	sshll.u32 s1, $0x11  }
0xbc: {  	s0 =	sor.u32 s1, s0  }
0xbd: {  	s0 =	sadd.s32 $0x8F2B, s0  }
0xbe: {  	[sflag:s0] =	ssyncadd.remote.s32 $0x1  }
0xbf: {  	_ =	sfence.sel $0xFFFF  }
0xc0: {  	[dreg:$0x0] =	wrdreg $0xFFFFFFFF;
	(pc) =	sbr.abs _section_cstart, $3  }
0xc1: {  	[dreg:$0x1] =	wrdreg $0xFFFFFFFF  }
0xc2: {  	_ =	task.clear_ibuf [dreg:s7], $0x2FFFF;
	_ =	strace $0x9FFFFFFF  }
0xc3: {  	(tm) =	ssettm $0x7FFFFFFF  }
tec
execute0_lowered:
.L_overlay_start_1:
0x0: {  	(tag) =	ssettag $0x1  }
0x1: {  	s4 =	rddreg [dreg:$0x0]  }
0x2: {  	s5 =	rddreg [dreg:$0x1];
	s1 =	srdreg.scid  }
0x3: {  	s0 =	stileid.u32;
	s2 =	rddreg [dreg:$0x2];
	s3 =	simm.s32 $0x0  }
0x4: {  	s11 =	simm.s32 $0x2800;
	s6 =	sand.u32 $0x1, s1;
	s1 =	rddreg [dreg:$0x3]  }
0x5: {  	s14 =	simm.s32 $0x0;
	s7 =	smul.u32 $0x280, s0;
	[smem:$0x7FF] =	sst s3  }
0x6: {  	s12 =	sshll.u32 s0, $0x6;
	s8 =	smul.u32 $0x2800, s6;
	s9 =	sshll.u32 s6, $0x4  }
0x7: {  	s6 =	ssub.s32 $0x2, s6;
	_ =	strace $0x80000047;
	s9 =	sor.u32 s0, s9  }
0x8: {  	s10 =	sshrl.u32 s6, $0x1;
	s8 =	sadd.s32 s7, s8;
	s9 =	smul.u32 $0x500, s9  }
0x9: {  	s12 =	sor.u32 $0x1C01, s12;
	s10 =	ssub.s32 s6, s10;
	s8 =	sshrl.u32 s8, $0x3  }
0xa: {  	s8 =	sadd.s32 s8, s5;
	s4 =	sadd.s32 s4, s9;
	s5 =	sadd.s32 s7, s2  }
0xb: {  	s7 =	smax.u32 s10, $0x1;
	s9 =	simm.s32 $0x2880;
	s10 =	simm.s32 $0x80  }
0xc: {  	v0 =	vimm.f32 $1.000000000e+00;
	v1 =	vimm.f32 $0.0e+00;
	s6 =	sadd.s32 $0x1C00, s8;
	s8 =	simm.s32 $0x1;
	s13 =	sshrl.u32 s5, $0x3  }
.LBB2_1:
0xd: {  	[tilespmem:s3], [sflag:$0x1] =	stream.linear.gather [hbm4b:s4+s3], $0x2800, $0x38;
	[tilespmem:$0x2D80] =	vst v63  }
0xe: {  	_ =	swait.ge [sflag:s8], $0x2800  }
0xf: {  	[sflag:s8] =	ssyncset.done $0x0  }
0x10: {  	[sflag:s8] =	ssyncadd.s32 $0xFFFFD800  }
0x11: {  	[tilespmem:$0x2800] =	vst v0  }
0x12: {  	[tilespmem:$0x2810] =	vst v0  }
0x13: {  	[tilespmem:$0x2820] =	vst v0  }
0x14: {  	[tilespmem:$0x2830] =	vst v0  }
0x15: {  	[tilespmem:$0x2840] =	vst v0  }
0x16: {  	[tilespmem:$0x2850] =	vst v0  }
0x17: {  	[tilespmem:$0x2860] =	vst v0  }
0x18: {  	[tilespmem:$0x2870] =	vst v0  }
0x19: {  	[tilespmem:$0x2880] =	vst v1  }
0x1a: {  	[tilespmem:$0x2890] =	vst v1  }
0x1b: {  	[tilespmem:$0x28A0] =	vst v1  }
0x1c: {  	[tilespmem:$0x28B0] =	vst v1  }
0x1d: {  	[tilespmem:$0x28C0] =	vst v1  }
0x1e: {  	[tilespmem:$0x28D0] =	vst v1  }
0x1f: {  	[tilespmem:$0x28E0] =	vst v1  }
0x20: {  	[tilespmem:$0x28F0] =	vst v1  }
0x21: {  	[tilespmem:$0x2900] =	vst v1  }
0x22: {  	[tilespmem:$0x2910] =	vst v1  }
0x23: {  	[tilespmem:$0x2920] =	vst v1  }
0x24: {  	[tilespmem:$0x2930] =	vst v1  }
0x25: {  	[tilespmem:$0x2940] =	vst v1  }
0x26: {  	[tilespmem:$0x2950] =	vst v1  }
0x27: {  	[tilespmem:$0x2960] =	vst v1  }
0x28: {  	[tilespmem:$0x2970] =	vst v1  }
0x29: {  	[tilespmem:$0x2980] =	vst v1  }
0x2a: {  	[tilespmem:$0x2990] =	vst v1  }
0x2b: {  	[tilespmem:$0x29A0] =	vst v1  }
0x2c: {  	[tilespmem:$0x29B0] =	vst v1  }
0x2d: {  	[tilespmem:$0x29C0] =	vst v1  }
0x2e: {  	[tilespmem:$0x29D0] =	vst v1  }
0x2f: {  	[tilespmem:$0x29E0] =	vst v1  }
0x30: {  	[tilespmem:$0x29F0] =	vst v1  }
0x31: {  	[tilespmem:$0x2A00] =	vst v1  }
0x32: {  	[tilespmem:$0x2A10] =	vst v1  }
0x33: {  	[tilespmem:$0x2A20] =	vst v1  }
0x34: {  	[tilespmem:$0x2A30] =	vst v1  }
0x35: {  	[tilespmem:$0x2A40] =	vst v1  }
0x36: {  	[tilespmem:$0x2A50] =	vst v1  }
0x37: {  	[tilespmem:$0x2A60] =	vst v1  }
0x38: {  	[tilespmem:$0x2A70] =	vst v1  }
0x39: {  	[tilespmem:$0x2A80] =	vst v1  }
0x3a: {  	[tilespmem:$0x2A90] =	vst v1  }
0x3b: {  	[tilespmem:$0x2AA0] =	vst v1  }
0x3c: {  	[tilespmem:$0x2AB0] =	vst v1  }
0x3d: {  	[tilespmem:$0x2AC0] =	vst v1  }
0x3e: {  	[tilespmem:$0x2AD0] =	vst v1  }
0x3f: {  	[tilespmem:$0x2AE0] =	vst v1  }
0x40: {  	[tilespmem:$0x2AF0] =	vst v1  }
0x41: {  	[spmem:s5] =	stream.linear.scatter [tilespmem:s9], [sflag:$0x1], $0x280, $0x38;
	[tilespmem:$0x2D80] =	vst v63  }
0x42: {  	_ =	swait.ge [sflag:s8], $0x280  }
0x43: {  	[sflag:s8] =	ssyncset.done $0x0  }
0x44: {  	[sflag:s8] =	ssyncadd.s32 $0xFFFFFD80  }
0x45: {  	s15 =	simm.s32 $0x0;
	[bflag:$0x0] =	sbarrier.arrive $0xFFFF  }
0x46: {  	[spmem:s2] =	stream.indirect.scatter.add.f32 [tilespmem:s11], [sflag:$0x1], $0x1, s15, s10, $0xb8;
	[tilespmem:$0x2D80] =	vst v63  }
0x47: {  	_ =	swait.ge [sflag:s8], $0x80  }
0x48: {  	s15 =	simm.s32 $0x200;
	[sflag:s8] =	ssyncset.done $0x0  }
.LBB2_2:
0x49: {  	s16 =	sshra.s32 s15, $0x2;
	[sflag:s8] =	ssyncadd.s32 $0xFFFFFF80;
	p0 =	sne.s32 s15, $0x9E00  }
0x4a: {  	[spmem:s2] =	stream.indirect.scatter.add.f32 [tilespmem:s11], [sflag:$0x1], $0x1, s16, s10, $0xb8;
	[tilespmem:$0x2D80] =	vst v63  }
.Ltmp0:
0x4b: {  	_ = 	snop;
	(pc) =	sbr.rel @p0 .LBB2_2-.Ltmp0, $4  }
0x4c: {  	_ = 	snop  }
0x4d: {  	s15 =	sadd.s32 $0x200, s15  }
0x4e: {  	_ =	swait.ge [sflag:s8], $0x80  }
0x4f: {  	[sflag:s8] =	ssyncset.done $0x0  }
0x50: {  	s14 =	sadd.s32 $0x1, s14  }
0x51: {  	[sflag:s8] =	ssyncadd.s32 $0xFFFFFF80;
	p0 =	sne.s32 s14, s7  }
.Ltmp1:
0x52: {  	[bflag:$0x0] =	sbarrier.arrive $0xFFFF;
	(pc) =	sbr.rel @p0 .LBB2_1-.Ltmp1, $4  }
0x53: {  	[hbm:s6], [sflag:s12] =	dma.local [spmem:s13], $0x50  }
0x54: {  	_ =	swait.ge [sflag:s8], $0x50  }
0x55: {  	[sflag:s8] =	ssyncset.done $0x0  }
0x56: {  	[sflag:s8] =	ssyncadd.s32 $0xFFFFFFB0  }
0x57: {  	_ =	sfence.sel $0x180000  }
0x58: {  	[bflag:$0x0] =	sbarrier.arrive $0xFFFF  }
0x59: {  	p0 =	sne.s32 s0, $0x0;
	_ =	strace $0x90000047  }
0x5a: {  	s0 =	sadd.s32 @!p0 $0x100000, s1;
	[bflag:$0x2] =	sbarrier.arrive $0xFFFF  }
0x5b: {  	[sflag:s0] =	ssyncadd.tile.s32 @!p0 $0x1;
	_ =	shalt  }
.Lfunc_end2:
_tile_overlayer_lowered:
.L_overlay_start_2:
0x5c: {  	(tag) =	ssettag $0x2  }
0x5d: {  	s0 =	rddreg [dreg:$0x0];
	s2 =	stileid.u32  }
0x5e: {  	s1 =	rddreg [dreg:$0x1];
	p0 =	sne.s32 s2, $0x0  }
0x5f: {  	s3 =	rddreg [dreg:$0x2];
	[bflag:$0x3] =	sbarrier.arrive $0xFFFF;
	s2 =	simm.s32 @!p0 $0x1C01  }
0x60: {  	[timem:s3], [sflag:s2] =	dma.local @!p0 [hbm:s0], s1  }
0x61: {  	s0 =	simm.s32 @!p0 $0x1  }
0x62: {  	_ =	swait.ge @!p0 [sflag:s0], s1  }
0x63: {  	s1 =	ssub.s32 @!p0 $0x0, s1;
	[sflag:s0] =	ssyncset.done @!p0 $0x0  }
0x64: {  	[sflag:s0] =	ssyncadd.s32 @!p0 s1  }
0x65: {  	[bflag:$0x3] =	sbarrier.arrive $0xFFFF  }
0x66: {  	_ =	shalt  }

</sc_bundles>
